<compile_context>
chip_gen: v7x
topology: tpu7x:2x2x1
jax: 0.10.2.dev20260603
libtpu: 0.0.44.dev20260713+nightly
codegen_flags: <defaults>
</compile_context>

<pallas_src>
import functools

import jax
import jax.numpy as jnp
from jax import lax
from jax.experimental import pallas as pl
from jax.experimental.pallas import tpu as pltpu
from jax.experimental.pallas import tpu_sc as plsc

_N_NODES = 10000
_N_EDGES = 320000
_D = 128

_info = plsc.get_sparse_core_info()
_NC = _info.num_cores
_NS = _info.num_subcores
_L = _info.num_lanes
_NW = _NC * _NS
_E_PER_W = _N_EDGES // _NW


_NBLK = 5120
_N_PAD = 2 * _NBLK


def _tc_tables_body(x_ref, w12t_ref, b_ref, s_ref, t_ref):
    r = lax.dot_general(
        w12t_ref[...], x_ref[...],
        dimension_numbers=(((1,), (1,)), ((), ())),
        preferred_element_type=jnp.float32,
    )
    s_ref[...] = r[0:1, :].reshape(_NBLK) + b_ref[0]
    t_ref[...] = r[1:2, :].reshape(_NBLK)


def _make_tables(node_embedding, w12t, b):
    s, t = pl.pallas_call(
        _tc_tables_body,
        grid=(_N_PAD // _NBLK,),
        in_specs=[
            pl.BlockSpec((_NBLK, _D), lambda i: (i, 0)),
            pl.BlockSpec((2, _D), lambda i: (0, 0)),
            pl.BlockSpec(memory_space=pltpu.SMEM),
        ],
        out_specs=[
            pl.BlockSpec((_NBLK,), lambda i: (i,)),
            pl.BlockSpec((_NBLK,), lambda i: (i,)),
        ],
        out_shape=[
            jax.ShapeDtypeStruct((_N_PAD,), jnp.float32),
            jax.ShapeDtypeStruct((_N_PAD,), jnp.float32),
        ],
    )(node_embedding, w12t, b)
    return s, t


_sc_mesh = plsc.VectorSubcoreMesh(core_axis_name="c", subcore_axis_name="s")


@functools.partial(
    pl.kernel,
    mesh=_sc_mesh,
    out_type=jax.ShapeDtypeStruct((_N_EDGES,), jnp.float32),
    compiler_params=pltpu.CompilerParams(needs_layout_passes=False),
    scratch_types=[
        pltpu.VMEM((_N_PAD,), jnp.float32),
        pltpu.VMEM((_N_PAD,), jnp.float32),
        pltpu.VMEM((_E_PER_W,), jnp.int32),
        pltpu.VMEM((_E_PER_W,), jnp.int32),
        pltpu.VMEM((_E_PER_W,), jnp.float32),
        pltpu.SemaphoreType.DMA,
        pltpu.SemaphoreType.DMA,
    ],
)
def _sc_edge_logits(s_hbm, t_hbm, src_hbm, dst_hbm, out_hbm,
                    s_v, t_v, src_v, dst_v, o_v, sem, osem):
    wid = lax.axis_index("s") * _NC + lax.axis_index("c")
    base = wid * _E_PER_W
    nchunks = 5
    cw = _E_PER_W // nchunks

    c1 = pltpu.async_copy(s_hbm, s_v, sem)
    c2 = pltpu.async_copy(t_hbm, t_v, sem)
    copies = []
    for k in range(nchunks):
        sl = pl.ds(base + k * cw, cw)
        vl = pl.ds(k * cw, cw)
        copies.append((
            pltpu.async_copy(src_hbm.at[sl], src_v.at[vl], sem),
            pltpu.async_copy(dst_hbm.at[sl], dst_v.at[vl], sem),
        ))
    c1.wait()
    c2.wait()

    def body(i):
        sl = pl.ds(i, _L)
        gs = plsc.load_gather(s_v, [src_v[sl]])
        gt = plsc.load_gather(t_v, [dst_v[sl]])
        o_v[sl] = gs + gt

    for k in range(nchunks):
        copies[k][0].wait()
        copies[k][1].wait()
        plsc.parallel_loop(k * cw, (k + 1) * cw, _L, unroll=8)(body)
        pltpu.async_copy(o_v.at[pl.ds(k * cw, cw)],
                         out_hbm.at[pl.ds(base + k * cw, cw)], osem)
    for k in range(nchunks):
        pltpu.make_async_copy(o_v.at[pl.ds(k * cw, cw)],
                              out_hbm.at[pl.ds(base + k * cw, cw)],
                              osem).wait()


def kernel(node_embedding, edges, W, b):
    w12t = W.reshape(2, _D)
    src = edges[:, 0].astype(jnp.int32)
    dst = edges[:, 1].astype(jnp.int32)
    s, t = _make_tables(node_embedding, w12t, b)
    return _sc_edge_logits(s, t, src, dst).reshape(_N_EDGES, 1)

# --- scband reference (transcript-rebuilt; emitter-appended) ---
"""Pipeline reference for scband-decoder-63067299775239 (READ-ONLY COPY).

The authoritative reference and input builder live on the scoring server;
editing this copy changes nothing except your own understanding.
"""

import jax, jax.numpy as jnp
import numpy as np

N_NODES = 10000
N_EDGES = 320000
D = 128

def setup_inputs(seed: int = 0) -> dict:
    key = jax.random.key(seed)
    k1, k2, k3 = jax.random.split(key, 3)
    node_embedding = jax.random.normal(k1, (N_NODES, D), dtype=jnp.float32)
    edges = jax.random.randint(k2, (N_EDGES, 2), 0, N_NODES, dtype=jnp.int64)
    # classifier: nn.Linear(2*D, 1) with xavier_uniform weight, zero bias
    fan_in, fan_out = 2 * D, 1
    limit = float(np.sqrt(6.0 / (fan_in + fan_out)))
    W = jax.random.uniform(k3, (1, 2 * D), dtype=jnp.float32, minval=-limit, maxval=limit)
    b = jnp.zeros((1,), dtype=jnp.float32)
    return {"node_embedding": node_embedding, "edges": edges, "W": W, "b": b}

def reference(node_embedding, edges, W, b):
    src = edges[:, 0]
    dst = edges[:, 1]
    src_embedding = jnp.take(node_embedding, src, axis=0)
    dst_embedding = jnp.take(node_embedding, dst, axis=0)
    merged_embedding = jnp.concatenate([src_embedding, dst_embedding], axis=1)
    logits = merged_embedding @ W.T + b
    return logits

if __name__ == "__main__":
    import jax
    _d = setup_inputs()
    print(jax.jit(kernel)(*tuple(_d.values())))

</pallas_src>

<mosaic_0001>
#map = affine_map<(d0, d1) -> (0)>
module attributes {stable_mosaic.version = 14 : i64} {
  func.func @_sc_edge_logits(%arg0: i32, %arg1: i32, %arg2: memref<10240xf32, #tpu.memory_space<hbm>>, %arg3: memref<10240xf32, #tpu.memory_space<hbm>>, %arg4: memref<320000xi32, #tpu.memory_space<hbm>>, %arg5: memref<320000xi32, #tpu.memory_space<hbm>>, %arg6: memref<320000xf32, #tpu.memory_space<hbm>>, %arg7: memref<10240xf32, #tpu.memory_space<vmem>>, %arg8: memref<10240xf32, #tpu.memory_space<vmem>>, %arg9: memref<10000xi32, #tpu.memory_space<vmem>>, %arg10: memref<10000xi32, #tpu.memory_space<vmem>>, %arg11: memref<10000xf32, #tpu.memory_space<vmem>>, %arg12: memref<!tpu.dma_semaphore, #tpu.memory_space<semaphore_mem>>, %arg13: memref<!tpu.dma_semaphore, #tpu.memory_space<semaphore_mem>>) attributes {dimension_semantics = [#tpu.dimension_semantics<core_parallel>, #tpu.dimension_semantics<subcore_parallel>], iteration_bounds = array<i64: 2, 16>, scalar_prefetch = 0 : i64, scratch_operands = 7 : i64, tpu.core_type = #tpu.core_type<sc_vector_subcore>, window_params = [{transform_indices = #map}, {transform_indices = #map}, {transform_indices = #map}, {transform_indices = #map}, {transform_indices = #map}]} {
    %mul3A = arith.constant 2 : i32
    %mul3A_0 = arith.muli %arg1, %mul3A : i32
    %add3A = arith.addi %mul3A_0, %arg0 : i32
    %mul3A_1 = arith.constant 10000 : i32
    %mul3A_2 = arith.muli %add3A, %mul3A_1 : i32
    tpu.enqueue_dma source(%arg2 : memref<10240xf32, #tpu.memory_space<hbm>>) target(%arg7 : memref<10240xf32, #tpu.memory_space<vmem>>) target_semaphore(%arg12 : memref<!tpu.dma_semaphore, #tpu.memory_space<semaphore_mem>>)
    tpu.enqueue_dma source(%arg3 : memref<10240xf32, #tpu.memory_space<hbm>>) target(%arg8 : memref<10240xf32, #tpu.memory_space<vmem>>) target_semaphore(%arg12 : memref<!tpu.dma_semaphore, #tpu.memory_space<semaphore_mem>>)
    %add3A_3 = arith.constant 0 : i32
    %add3A_4 = arith.addi %mul3A_2, %add3A_3 : i32
    %dma_start3A = arith.constant 0 : i32
    %dma_start3A_5 = tpu.memref_slice %arg9[%dma_start3A] : memref<10000xi32, #tpu.memory_space<vmem>> -> memref<2000xi32, #tpu.memory_space<vmem>>
    %dma_start3A_6 = tpu.memref_slice %arg4[%add3A_4] : memref<320000xi32, #tpu.memory_space<hbm>> -> memref<2000xi32, #tpu.memory_space<hbm>>
    %dma_start3A_7 = arith.constant 0 : i32
    %dma_start3A_8 = tpu.memref_slice %arg9[%dma_start3A_7] : memref<10000xi32, #tpu.memory_space<vmem>> -> memref<2000xi32, #tpu.memory_space<vmem>>
    %dma_start3A_9 = tpu.memref_slice %arg4[%add3A_4] : memref<320000xi32, #tpu.memory_space<hbm>> -> memref<2000xi32, #tpu.memory_space<hbm>>
    tpu.enqueue_dma source(%dma_start3A_9 : memref<2000xi32, #tpu.memory_space<hbm>>) target(%dma_start3A_8 : memref<2000xi32, #tpu.memory_space<vmem>>) target_semaphore(%arg12 : memref<!tpu.dma_semaphore, #tpu.memory_space<semaphore_mem>>)
    %dma_start3A_10 = arith.constant 0 : i32
    %dma_start3A_11 = tpu.memref_slice %arg10[%dma_start3A_10] : memref<10000xi32, #tpu.memory_space<vmem>> -> memref<2000xi32, #tpu.memory_space<vmem>>
    %dma_start3A_12 = tpu.memref_slice %arg5[%add3A_4] : memref<320000xi32, #tpu.memory_space<hbm>> -> memref<2000xi32, #tpu.memory_space<hbm>>
    %dma_start3A_13 = arith.constant 0 : i32
    %dma_start3A_14 = tpu.memref_slice %arg10[%dma_start3A_13] : memref<10000xi32, #tpu.memory_space<vmem>> -> memref<2000xi32, #tpu.memory_space<vmem>>
    %dma_start3A_15 = tpu.memref_slice %arg5[%add3A_4] : memref<320000xi32, #tpu.memory_space<hbm>> -> memref<2000xi32, #tpu.memory_space<hbm>>
    tpu.enqueue_dma source(%dma_start3A_15 : memref<2000xi32, #tpu.memory_space<hbm>>) target(%dma_start3A_14 : memref<2000xi32, #tpu.memory_space<vmem>>) target_semaphore(%arg12 : memref<!tpu.dma_semaphore, #tpu.memory_space<semaphore_mem>>)
    %add3A_16 = arith.constant 2000 : i32
    %add3A_17 = arith.addi %mul3A_2, %add3A_16 : i32
    %dma_start3A_18 = arith.constant 2000 : i32
    %dma_start3A_19 = tpu.memref_slice %arg9[%dma_start3A_18] : memref<10000xi32, #tpu.memory_space<vmem>> -> memref<2000xi32, #tpu.memory_space<vmem>>
    %dma_start3A_20 = tpu.memref_slice %arg4[%add3A_17] : memref<320000xi32, #tpu.memory_space<hbm>> -> memref<2000xi32, #tpu.memory_space<hbm>>
    %dma_start3A_21 = arith.constant 2000 : i32
    %dma_start3A_22 = tpu.memref_slice %arg9[%dma_start3A_21] : memref<10000xi32, #tpu.memory_space<vmem>> -> memref<2000xi32, #tpu.memory_space<vmem>>
    %dma_start3A_23 = tpu.memref_slice %arg4[%add3A_17] : memref<320000xi32, #tpu.memory_space<hbm>> -> memref<2000xi32, #tpu.memory_space<hbm>>
    tpu.enqueue_dma source(%dma_start3A_23 : memref<2000xi32, #tpu.memory_space<hbm>>) target(%dma_start3A_22 : memref<2000xi32, #tpu.memory_space<vmem>>) target_semaphore(%arg12 : memref<!tpu.dma_semaphore, #tpu.memory_space<semaphore_mem>>)
    %dma_start3A_24 = arith.constant 2000 : i32
    %dma_start3A_25 = tpu.memref_slice %arg10[%dma_start3A_24] : memref<10000xi32, #tpu.memory_space<vmem>> -> memref<2000xi32, #tpu.memory_space<vmem>>
    %dma_start3A_26 = tpu.memref_slice %arg5[%add3A_17] : memref<320000xi32, #tpu.memory_space<hbm>> -> memref<2000xi32, #tpu.memory_space<hbm>>
    %dma_start3A_27 = arith.constant 2000 : i32
    %dma_start3A_28 = tpu.memref_slice %arg10[%dma_start3A_27] : memref<10000xi32, #tpu.memory_space<vmem>> -> memref<2000xi32, #tpu.memory_space<vmem>>
    %dma_start3A_29 = tpu.memref_slice %arg5[%add3A_17] : memref<320000xi32, #tpu.memory_space<hbm>> -> memref<2000xi32, #tpu.memory_space<hbm>>
    tpu.enqueue_dma source(%dma_start3A_29 : memref<2000xi32, #tpu.memory_space<hbm>>) target(%dma_start3A_28 : memref<2000xi32, #tpu.memory_space<vmem>>) target_semaphore(%arg12 : memref<!tpu.dma_semaphore, #tpu.memory_space<semaphore_mem>>)
    %add3A_30 = arith.constant 4000 : i32
    %add3A_31 = arith.addi %mul3A_2, %add3A_30 : i32
    %dma_start3A_32 = arith.constant 4000 : i32
    %dma_start3A_33 = tpu.memref_slice %arg9[%dma_start3A_32] : memref<10000xi32, #tpu.memory_space<vmem>> -> memref<2000xi32, #tpu.memory_space<vmem>>
    %dma_start3A_34 = tpu.memref_slice %arg4[%add3A_31] : memref<320000xi32, #tpu.memory_space<hbm>> -> memref<2000xi32, #tpu.memory_space<hbm>>
    %dma_start3A_35 = arith.constant 4000 : i32
    %dma_start3A_36 = tpu.memref_slice %arg9[%dma_start3A_35] : memref<10000xi32, #tpu.memory_space<vmem>> -> memref<2000xi32, #tpu.memory_space<vmem>>
    %dma_start3A_37 = tpu.memref_slice %arg4[%add3A_31] : memref<320000xi32, #tpu.memory_space<hbm>> -> memref<2000xi32, #tpu.memory_space<hbm>>
    tpu.enqueue_dma source(%dma_start3A_37 : memref<2000xi32, #tpu.memory_space<hbm>>) target(%dma_start3A_36 : memref<2000xi32, #tpu.memory_space<vmem>>) target_semaphore(%arg12 : memref<!tpu.dma_semaphore, #tpu.memory_space<semaphore_mem>>)
    %dma_start3A_38 = arith.constant 4000 : i32
    %dma_start3A_39 = tpu.memref_slice %arg10[%dma_start3A_38] : memref<10000xi32, #tpu.memory_space<vmem>> -> memref<2000xi32, #tpu.memory_space<vmem>>
    %dma_start3A_40 = tpu.memref_slice %arg5[%add3A_31] : memref<320000xi32, #tpu.memory_space<hbm>> -> memref<2000xi32, #tpu.memory_space<hbm>>
    %dma_start3A_41 = arith.constant 4000 : i32
    %dma_start3A_42 = tpu.memref_slice %arg10[%dma_start3A_41] : memref<10000xi32, #tpu.memory_space<vmem>> -> memref<2000xi32, #tpu.memory_space<vmem>>
    %dma_start3A_43 = tpu.memref_slice %arg5[%add3A_31] : memref<320000xi32, #tpu.memory_space<hbm>> -> memref<2000xi32, #tpu.memory_space<hbm>>
    tpu.enqueue_dma source(%dma_start3A_43 : memref<2000xi32, #tpu.memory_space<hbm>>) target(%dma_start3A_42 : memref<2000xi32, #tpu.memory_space<vmem>>) target_semaphore(%arg12 : memref<!tpu.dma_semaphore, #tpu.memory_space<semaphore_mem>>)
    %add3A_44 = arith.constant 6000 : i32
    %add3A_45 = arith.addi %mul3A_2, %add3A_44 : i32
    %dma_start3A_46 = arith.constant 6000 : i32
    %dma_start3A_47 = tpu.memref_slice %arg9[%dma_start3A_46] : memref<10000xi32, #tpu.memory_space<vmem>> -> memref<2000xi32, #tpu.memory_space<vmem>>
    %dma_start3A_48 = tpu.memref_slice %arg4[%add3A_45] : memref<320000xi32, #tpu.memory_space<hbm>> -> memref<2000xi32, #tpu.memory_space<hbm>>
    %dma_start3A_49 = arith.constant 6000 : i32
    %dma_start3A_50 = tpu.memref_slice %arg9[%dma_start3A_49] : memref<10000xi32, #tpu.memory_space<vmem>> -> memref<2000xi32, #tpu.memory_space<vmem>>
    %dma_start3A_51 = tpu.memref_slice %arg4[%add3A_45] : memref<320000xi32, #tpu.memory_space<hbm>> -> memref<2000xi32, #tpu.memory_space<hbm>>
    tpu.enqueue_dma source(%dma_start3A_51 : memref<2000xi32, #tpu.memory_space<hbm>>) target(%dma_start3A_50 : memref<2000xi32, #tpu.memory_space<vmem>>) target_semaphore(%arg12 : memref<!tpu.dma_semaphore, #tpu.memory_space<semaphore_mem>>)
    %dma_start3A_52 = arith.constant 6000 : i32
    %dma_start3A_53 = tpu.memref_slice %arg10[%dma_start3A_52] : memref<10000xi32, #tpu.memory_space<vmem>> -> memref<2000xi32, #tpu.memory_space<vmem>>
    %dma_start3A_54 = tpu.memref_slice %arg5[%add3A_45] : memref<320000xi32, #tpu.memory_space<hbm>> -> memref<2000xi32, #tpu.memory_space<hbm>>
    %dma_start3A_55 = arith.constant 6000 : i32
    %dma_start3A_56 = tpu.memref_slice %arg10[%dma_start3A_55] : memref<10000xi32, #tpu.memory_space<vmem>> -> memref<2000xi32, #tpu.memory_space<vmem>>
    %dma_start3A_57 = tpu.memref_slice %arg5[%add3A_45] : memref<320000xi32, #tpu.memory_space<hbm>> -> memref<2000xi32, #tpu.memory_space<hbm>>
    tpu.enqueue_dma source(%dma_start3A_57 : memref<2000xi32, #tpu.memory_space<hbm>>) target(%dma_start3A_56 : memref<2000xi32, #tpu.memory_space<vmem>>) target_semaphore(%arg12 : memref<!tpu.dma_semaphore, #tpu.memory_space<semaphore_mem>>)
    %add3A_58 = arith.constant 8000 : i32
    %add3A_59 = arith.addi %mul3A_2, %add3A_58 : i32
    %dma_start3A_60 = arith.constant 8000 : i32
    %dma_start3A_61 = tpu.memref_slice %arg9[%dma_start3A_60] : memref<10000xi32, #tpu.memory_space<vmem>> -> memref<2000xi32, #tpu.memory_space<vmem>>
    %dma_start3A_62 = tpu.memref_slice %arg4[%add3A_59] : memref<320000xi32, #tpu.memory_space<hbm>> -> memref<2000xi32, #tpu.memory_space<hbm>>
    %dma_start3A_63 = arith.constant 8000 : i32
    %dma_start3A_64 = tpu.memref_slice %arg9[%dma_start3A_63] : memref<10000xi32, #tpu.memory_space<vmem>> -> memref<2000xi32, #tpu.memory_space<vmem>>
    %dma_start3A_65 = tpu.memref_slice %arg4[%add3A_59] : memref<320000xi32, #tpu.memory_space<hbm>> -> memref<2000xi32, #tpu.memory_space<hbm>>
    tpu.enqueue_dma source(%dma_start3A_65 : memref<2000xi32, #tpu.memory_space<hbm>>) target(%dma_start3A_64 : memref<2000xi32, #tpu.memory_space<vmem>>) target_semaphore(%arg12 : memref<!tpu.dma_semaphore, #tpu.memory_space<semaphore_mem>>)
    %dma_start3A_66 = arith.constant 8000 : i32
    %dma_start3A_67 = tpu.memref_slice %arg10[%dma_start3A_66] : memref<10000xi32, #tpu.memory_space<vmem>> -> memref<2000xi32, #tpu.memory_space<vmem>>
    %dma_start3A_68 = tpu.memref_slice %arg5[%add3A_59] : memref<320000xi32, #tpu.memory_space<hbm>> -> memref<2000xi32, #tpu.memory_space<hbm>>
    %dma_start3A_69 = arith.constant 8000 : i32
    %dma_start3A_70 = tpu.memref_slice %arg10[%dma_start3A_69] : memref<10000xi32, #tpu.memory_space<vmem>> -> memref<2000xi32, #tpu.memory_space<vmem>>
    %dma_start3A_71 = tpu.memref_slice %arg5[%add3A_59] : memref<320000xi32, #tpu.memory_space<hbm>> -> memref<2000xi32, #tpu.memory_space<hbm>>
    tpu.enqueue_dma source(%dma_start3A_71 : memref<2000xi32, #tpu.memory_space<hbm>>) target(%dma_start3A_70 : memref<2000xi32, #tpu.memory_space<vmem>>) target_semaphore(%arg12 : memref<!tpu.dma_semaphore, #tpu.memory_space<semaphore_mem>>)
    tpu.wait_dma2 semaphore(%arg12 : memref<!tpu.dma_semaphore, #tpu.memory_space<semaphore_mem>>) src(%arg2 : memref<10240xf32, #tpu.memory_space<hbm>>) dst(%arg7 : memref<10240xf32, #tpu.memory_space<vmem>>)
    tpu.wait_dma2 semaphore(%arg12 : memref<!tpu.dma_semaphore, #tpu.memory_space<semaphore_mem>>) src(%arg3 : memref<10240xf32, #tpu.memory_space<hbm>>) dst(%arg8 : memref<10240xf32, #tpu.memory_space<vmem>>)
    %dma_wait3A = arith.constant 0 : i32
    %dma_wait3A_72 = tpu.memref_slice %arg9[%dma_wait3A] : memref<10000xi32, #tpu.memory_space<vmem>> -> memref<2000xi32, #tpu.memory_space<vmem>>
    %dma_wait3A_73 = tpu.memref_slice %arg4[%add3A_4] : memref<320000xi32, #tpu.memory_space<hbm>> -> memref<2000xi32, #tpu.memory_space<hbm>>
    %dma_wait3A_74 = arith.constant 0 : i32
    %dma_wait3A_75 = tpu.memref_slice %arg9[%dma_wait3A_74] : memref<10000xi32, #tpu.memory_space<vmem>> -> memref<2000xi32, #tpu.memory_space<vmem>>
    %dma_wait3A_76 = tpu.memref_slice %arg4[%add3A_4] : memref<320000xi32, #tpu.memory_space<hbm>> -> memref<2000xi32, #tpu.memory_space<hbm>>
    tpu.wait_dma2 semaphore(%arg12 : memref<!tpu.dma_semaphore, #tpu.memory_space<semaphore_mem>>) src(%dma_wait3A_76 : memref<2000xi32, #tpu.memory_space<hbm>>) dst(%dma_wait3A_75 : memref<2000xi32, #tpu.memory_space<vmem>>)
    %dma_wait3A_77 = arith.constant 0 : i32
    %dma_wait3A_78 = tpu.memref_slice %arg10[%dma_wait3A_77] : memref<10000xi32, #tpu.memory_space<vmem>> -> memref<2000xi32, #tpu.memory_space<vmem>>
    %dma_wait3A_79 = tpu.memref_slice %arg5[%add3A_4] : memref<320000xi32, #tpu.memory_space<hbm>> -> memref<2000xi32, #tpu.memory_space<hbm>>
    %dma_wait3A_80 = arith.constant 0 : i32
    %dma_wait3A_81 = tpu.memref_slice %arg10[%dma_wait3A_80] : memref<10000xi32, #tpu.memory_space<vmem>> -> memref<2000xi32, #tpu.memory_space<vmem>>
    %dma_wait3A_82 = tpu.memref_slice %arg5[%add3A_4] : memref<320000xi32, #tpu.memory_space<hbm>> -> memref<2000xi32, #tpu.memory_space<hbm>>
    tpu.wait_dma2 semaphore(%arg12 : memref<!tpu.dma_semaphore, #tpu.memory_space<semaphore_mem>>) src(%dma_wait3A_82 : memref<2000xi32, #tpu.memory_space<hbm>>) dst(%dma_wait3A_81 : memref<2000xi32, #tpu.memory_space<vmem>>)
    %parallel_loop3A = arith.constant 0 : i32
    %parallel_loop3A_83 = arith.constant 2000 : i32
    %parallel_loop3A_84 = arith.constant 16 : i32
    scf.for %parallel_loop3A_225 = %parallel_loop3A to %parallel_loop3A_83 step %parallel_loop3A_84  : i32 {
      %parallel_loop3A_226 = arith.index_cast %parallel_loop3A_225 : i32 to index
      %parallel_loop3A_227 = tpu.vector_load %arg9[%parallel_loop3A_226] {strides = array<i32>} : memref<10000xi32, #tpu.memory_space<vmem>>, vector<16xi32>,
      %parallel_loop3A_228 = tpu.vector_load_idx %arg7[%parallel_loop3A_227] : memref<10240xf32, #tpu.memory_space<vmem>>[vector<16xi32>], vector<16xf32>,
      %parallel_loop3A_229 = arith.index_cast %parallel_loop3A_225 : i32 to index
      %parallel_loop3A_230 = tpu.vector_load %arg10[%parallel_loop3A_229] {strides = array<i32>} : memref<10000xi32, #tpu.memory_space<vmem>>, vector<16xi32>,
      %parallel_loop3A_231 = tpu.vector_load_idx %arg8[%parallel_loop3A_230] : memref<10240xf32, #tpu.memory_space<vmem>>[vector<16xi32>], vector<16xf32>,
      %parallel_loop3A_232 = arith.addf %parallel_loop3A_228, %parallel_loop3A_231 : vector<16xf32>
      %parallel_loop3A_233 = arith.index_cast %parallel_loop3A_225 : i32 to index
      %parallel_loop3A_234 = tpu.vector_load %arg11[%parallel_loop3A_233] {strides = array<i32>} : memref<10000xf32, #tpu.memory_space<vmem>>, vector<16xf32>,
      tpu.vector_store %arg11[%parallel_loop3A_233], %parallel_loop3A_232 {strides = array<i32>} : memref<10000xf32, #tpu.memory_space<vmem>>, vector<16xf32>,
    } {sc.loop_unroll_factor = 8 : i64, sc.parallel_access}
    %add3A_85 = arith.constant 0 : i32
    %add3A_86 = arith.addi %mul3A_2, %add3A_85 : i32
    %dma_start3A_87 = arith.constant 0 : i32
    %dma_start3A_88 = tpu.memref_slice %arg11[%dma_start3A_87] : memref<10000xf32, #tpu.memory_space<vmem>> -> memref<2000xf32, #tpu.memory_space<vmem>>
    %dma_start3A_89 = tpu.memref_slice %arg6[%add3A_86] : memref<320000xf32, #tpu.memory_space<hbm>> -> memref<2000xf32, #tpu.memory_space<hbm>>
    %dma_start3A_90 = tpu.memref_slice %arg6[%add3A_86] : memref<320000xf32, #tpu.memory_space<hbm>> -> memref<2000xf32, #tpu.memory_space<hbm>>
    %dma_start3A_91 = arith.constant 0 : i32
    %dma_start3A_92 = tpu.memref_slice %arg11[%dma_start3A_91] : memref<10000xf32, #tpu.memory_space<vmem>> -> memref<2000xf32, #tpu.memory_space<vmem>>
    tpu.enqueue_dma source(%dma_start3A_92 : memref<2000xf32, #tpu.memory_space<vmem>>) target(%dma_start3A_90 : memref<2000xf32, #tpu.memory_space<hbm>>) target_semaphore(%arg13 : memref<!tpu.dma_semaphore, #tpu.memory_space<semaphore_mem>>)
    %dma_wait3A_93 = arith.constant 2000 : i32
    %dma_wait3A_94 = tpu.memref_slice %arg9[%dma_wait3A_93] : memref<10000xi32, #tpu.memory_space<vmem>> -> memref<2000xi32, #tpu.memory_space<vmem>>
    %dma_wait3A_95 = tpu.memref_slice %arg4[%add3A_17] : memref<320000xi32, #tpu.memory_space<hbm>> -> memref<2000xi32, #tpu.memory_space<hbm>>
    %dma_wait3A_96 = arith.constant 2000 : i32
    %dma_wait3A_97 = tpu.memref_slice %arg9[%dma_wait3A_96] : memref<10000xi32, #tpu.memory_space<vmem>> -> memref<2000xi32, #tpu.memory_space<vmem>>
    %dma_wait3A_98 = tpu.memref_slice %arg4[%add3A_17] : memref<320000xi32, #tpu.memory_space<hbm>> -> memref<2000xi32, #tpu.memory_space<hbm>>
    tpu.wait_dma2 semaphore(%arg12 : memref<!tpu.dma_semaphore, #tpu.memory_space<semaphore_mem>>) src(%dma_wait3A_98 : memref<2000xi32, #tpu.memory_space<hbm>>) dst(%dma_wait3A_97 : memref<2000xi32, #tpu.memory_space<vmem>>)
    %dma_wait3A_99 = arith.constant 2000 : i32
    %dma_wait3A_100 = tpu.memref_slice %arg10[%dma_wait3A_99] : memref<10000xi32, #tpu.memory_space<vmem>> -> memref<2000xi32, #tpu.memory_space<vmem>>
    %dma_wait3A_101 = tpu.memref_slice %arg5[%add3A_17] : memref<320000xi32, #tpu.memory_space<hbm>> -> memref<2000xi32, #tpu.memory_space<hbm>>
    %dma_wait3A_102 = arith.constant 2000 : i32
    %dma_wait3A_103 = tpu.memref_slice %arg10[%dma_wait3A_102] : memref<10000xi32, #tpu.memory_space<vmem>> -> memref<2000xi32, #tpu.memory_space<vmem>>
    %dma_wait3A_104 = tpu.memref_slice %arg5[%add3A_17] : memref<320000xi32, #tpu.memory_space<hbm>> -> memref<2000xi32, #tpu.memory_space<hbm>>
    tpu.wait_dma2 semaphore(%arg12 : memref<!tpu.dma_semaphore, #tpu.memory_space<semaphore_mem>>) src(%dma_wait3A_104 : memref<2000xi32, #tpu.memory_space<hbm>>) dst(%dma_wait3A_103 : memref<2000xi32, #tpu.memory_space<vmem>>)
    %parallel_loop3A_105 = arith.constant 2000 : i32
    %parallel_loop3A_106 = arith.constant 4000 : i32
    %parallel_loop3A_107 = arith.constant 16 : i32
    scf.for %parallel_loop3A_225 = %parallel_loop3A_105 to %parallel_loop3A_106 step %parallel_loop3A_107  : i32 {
      %parallel_loop3A_226 = arith.index_cast %parallel_loop3A_225 : i32 to index
      %parallel_loop3A_227 = tpu.vector_load %arg9[%parallel_loop3A_226] {strides = array<i32>} : memref<10000xi32, #tpu.memory_space<vmem>>, vector<16xi32>,
      %parallel_loop3A_228 = tpu.vector_load_idx %arg7[%parallel_loop3A_227] : memref<10240xf32, #tpu.memory_space<vmem>>[vector<16xi32>], vector<16xf32>,
      %parallel_loop3A_229 = arith.index_cast %parallel_loop3A_225 : i32 to index
      %parallel_loop3A_230 = tpu.vector_load %arg10[%parallel_loop3A_229] {strides = array<i32>} : memref<10000xi32, #tpu.memory_space<vmem>>, vector<16xi32>,
      %parallel_loop3A_231 = tpu.vector_load_idx %arg8[%parallel_loop3A_230] : memref<10240xf32, #tpu.memory_space<vmem>>[vector<16xi32>], vector<16xf32>,
      %parallel_loop3A_232 = arith.addf %parallel_loop3A_228, %parallel_loop3A_231 : vector<16xf32>
      %parallel_loop3A_233 = arith.index_cast %parallel_loop3A_225 : i32 to index
      %parallel_loop3A_234 = tpu.vector_load %arg11[%parallel_loop3A_233] {strides = array<i32>} : memref<10000xf32, #tpu.memory_space<vmem>>, vector<16xf32>,
      tpu.vector_store %arg11[%parallel_loop3A_233], %parallel_loop3A_232 {strides = array<i32>} : memref<10000xf32, #tpu.memory_space<vmem>>, vector<16xf32>,
    } {sc.loop_unroll_factor = 8 : i64, sc.parallel_access}
    %add3A_108 = arith.constant 2000 : i32
    %add3A_109 = arith.addi %mul3A_2, %add3A_108 : i32
    %dma_start3A_110 = arith.constant 2000 : i32
    %dma_start3A_111 = tpu.memref_slice %arg11[%dma_start3A_110] : memref<10000xf32, #tpu.memory_space<vmem>> -> memref<2000xf32, #tpu.memory_space<vmem>>
    %dma_start3A_112 = tpu.memref_slice %arg6[%add3A_109] : memref<320000xf32, #tpu.memory_space<hbm>> -> memref<2000xf32, #tpu.memory_space<hbm>>
    %dma_start3A_113 = tpu.memref_slice %arg6[%add3A_109] : memref<320000xf32, #tpu.memory_space<hbm>> -> memref<2000xf32, #tpu.memory_space<hbm>>
    %dma_start3A_114 = arith.constant 2000 : i32
    %dma_start3A_115 = tpu.memref_slice %arg11[%dma_start3A_114] : memref<10000xf32, #tpu.memory_space<vmem>> -> memref<2000xf32, #tpu.memory_space<vmem>>
    tpu.enqueue_dma source(%dma_start3A_115 : memref<2000xf32, #tpu.memory_space<vmem>>) target(%dma_start3A_113 : memref<2000xf32, #tpu.memory_space<hbm>>) target_semaphore(%arg13 : memref<!tpu.dma_semaphore, #tpu.memory_space<semaphore_mem>>)
    %dma_wait3A_116 = arith.constant 4000 : i32
    %dma_wait3A_117 = tpu.memref_slice %arg9[%dma_wait3A_116] : memref<10000xi32, #tpu.memory_space<vmem>> -> memref<2000xi32, #tpu.memory_space<vmem>>
    %dma_wait3A_118 = tpu.memref_slice %arg4[%add3A_31] : memref<320000xi32, #tpu.memory_space<hbm>> -> memref<2000xi32, #tpu.memory_space<hbm>>
    %dma_wait3A_119 = arith.constant 4000 : i32
    %dma_wait3A_120 = tpu.memref_slice %arg9[%dma_wait3A_119] : memref<10000xi32, #tpu.memory_space<vmem>> -> memref<2000xi32, #tpu.memory_space<vmem>>
    %dma_wait3A_121 = tpu.memref_slice %arg4[%add3A_31] : memref<320000xi32, #tpu.memory_space<hbm>> -> memref<2000xi32, #tpu.memory_space<hbm>>
    tpu.wait_dma2 semaphore(%arg12 : memref<!tpu.dma_semaphore, #tpu.memory_space<semaphore_mem>>) src(%dma_wait3A_121 : memref<2000xi32, #tpu.memory_space<hbm>>) dst(%dma_wait3A_120 : memref<2000xi32, #tpu.memory_space<vmem>>)
    %dma_wait3A_122 = arith.constant 4000 : i32
    %dma_wait3A_123 = tpu.memref_slice %arg10[%dma_wait3A_122] : memref<10000xi32, #tpu.memory_space<vmem>> -> memref<2000xi32, #tpu.memory_space<vmem>>
    %dma_wait3A_124 = tpu.memref_slice %arg5[%add3A_31] : memref<320000xi32, #tpu.memory_space<hbm>> -> memref<2000xi32, #tpu.memory_space<hbm>>
    %dma_wait3A_125 = arith.constant 4000 : i32
    %dma_wait3A_126 = tpu.memref_slice %arg10[%dma_wait3A_125] : memref<10000xi32, #tpu.memory_space<vmem>> -> memref<2000xi32, #tpu.memory_space<vmem>>
    %dma_wait3A_127 = tpu.memref_slice %arg5[%add3A_31] : memref<320000xi32, #tpu.memory_space<hbm>> -> memref<2000xi32, #tpu.memory_space<hbm>>
    tpu.wait_dma2 semaphore(%arg12 : memref<!tpu.dma_semaphore, #tpu.memory_space<semaphore_mem>>) src(%dma_wait3A_127 : memref<2000xi32, #tpu.memory_space<hbm>>) dst(%dma_wait3A_126 : memref<2000xi32, #tpu.memory_space<vmem>>)
    %parallel_loop3A_128 = arith.constant 4000 : i32
    %parallel_loop3A_129 = arith.constant 6000 : i32
    %parallel_loop3A_130 = arith.constant 16 : i32
    scf.for %parallel_loop3A_225 = %parallel_loop3A_128 to %parallel_loop3A_129 step %parallel_loop3A_130  : i32 {
      %parallel_loop3A_226 = arith.index_cast %parallel_loop3A_225 : i32 to index
      %parallel_loop3A_227 = tpu.vector_load %arg9[%parallel_loop3A_226] {strides = array<i32>} : memref<10000xi32, #tpu.memory_space<vmem>>, vector<16xi32>,
      %parallel_loop3A_228 = tpu.vector_load_idx %arg7[%parallel_loop3A_227] : memref<10240xf32, #tpu.memory_space<vmem>>[vector<16xi32>], vector<16xf32>,
      %parallel_loop3A_229 = arith.index_cast %parallel_loop3A_225 : i32 to index
      %parallel_loop3A_230 = tpu.vector_load %arg10[%parallel_loop3A_229] {strides = array<i32>} : memref<10000xi32, #tpu.memory_space<vmem>>, vector<16xi32>,
      %parallel_loop3A_231 = tpu.vector_load_idx %arg8[%parallel_loop3A_230] : memref<10240xf32, #tpu.memory_space<vmem>>[vector<16xi32>], vector<16xf32>,
      %parallel_loop3A_232 = arith.addf %parallel_loop3A_228, %parallel_loop3A_231 : vector<16xf32>
      %parallel_loop3A_233 = arith.index_cast %parallel_loop3A_225 : i32 to index
      %parallel_loop3A_234 = tpu.vector_load %arg11[%parallel_loop3A_233] {strides = array<i32>} : memref<10000xf32, #tpu.memory_space<vmem>>, vector<16xf32>,
      tpu.vector_store %arg11[%parallel_loop3A_233], %parallel_loop3A_232 {strides = array<i32>} : memref<10000xf32, #tpu.memory_space<vmem>>, vector<16xf32>,
    } {sc.loop_unroll_factor = 8 : i64, sc.parallel_access}
    %add3A_131 = arith.constant 4000 : i32
    %add3A_132 = arith.addi %mul3A_2, %add3A_131 : i32
    %dma_start3A_133 = arith.constant 4000 : i32
    %dma_start3A_134 = tpu.memref_slice %arg11[%dma_start3A_133] : memref<10000xf32, #tpu.memory_space<vmem>> -> memref<2000xf32, #tpu.memory_space<vmem>>
    %dma_start3A_135 = tpu.memref_slice %arg6[%add3A_132] : memref<320000xf32, #tpu.memory_space<hbm>> -> memref<2000xf32, #tpu.memory_space<hbm>>
    %dma_start3A_136 = tpu.memref_slice %arg6[%add3A_132] : memref<320000xf32, #tpu.memory_space<hbm>> -> memref<2000xf32, #tpu.memory_space<hbm>>
    %dma_start3A_137 = arith.constant 4000 : i32
    %dma_start3A_138 = tpu.memref_slice %arg11[%dma_start3A_137] : memref<10000xf32, #tpu.memory_space<vmem>> -> memref<2000xf32, #tpu.memory_space<vmem>>
    tpu.enqueue_dma source(%dma_start3A_138 : memref<2000xf32, #tpu.memory_space<vmem>>) target(%dma_start3A_136 : memref<2000xf32, #tpu.memory_space<hbm>>) target_semaphore(%arg13 : memref<!tpu.dma_semaphore, #tpu.memory_space<semaphore_mem>>)
    %dma_wait3A_139 = arith.constant 6000 : i32
    %dma_wait3A_140 = tpu.memref_slice %arg9[%dma_wait3A_139] : memref<10000xi32, #tpu.memory_space<vmem>> -> memref<2000xi32, #tpu.memory_space<vmem>>
    %dma_wait3A_141 = tpu.memref_slice %arg4[%add3A_45] : memref<320000xi32, #tpu.memory_space<hbm>> -> memref<2000xi32, #tpu.memory_space<hbm>>
    %dma_wait3A_142 = arith.constant 6000 : i32
    %dma_wait3A_143 = tpu.memref_slice %arg9[%dma_wait3A_142] : memref<10000xi32, #tpu.memory_space<vmem>> -> memref<2000xi32, #tpu.memory_space<vmem>>
    %dma_wait3A_144 = tpu.memref_slice %arg4[%add3A_45] : memref<320000xi32, #tpu.memory_space<hbm>> -> memref<2000xi32, #tpu.memory_space<hbm>>
    tpu.wait_dma2 semaphore(%arg12 : memref<!tpu.dma_semaphore, #tpu.memory_space<semaphore_mem>>) src(%dma_wait3A_144 : memref<2000xi32, #tpu.memory_space<hbm>>) dst(%dma_wait3A_143 : memref<2000xi32, #tpu.memory_space<vmem>>)
    %dma_wait3A_145 = arith.constant 6000 : i32
    %dma_wait3A_146 = tpu.memref_slice %arg10[%dma_wait3A_145] : memref<10000xi32, #tpu.memory_space<vmem>> -> memref<2000xi32, #tpu.memory_space<vmem>>
    %dma_wait3A_147 = tpu.memref_slice %arg5[%add3A_45] : memref<320000xi32, #tpu.memory_space<hbm>> -> memref<2000xi32, #tpu.memory_space<hbm>>
    %dma_wait3A_148 = arith.constant 6000 : i32
    %dma_wait3A_149 = tpu.memref_slice %arg10[%dma_wait3A_148] : memref<10000xi32, #tpu.memory_space<vmem>> -> memref<2000xi32, #tpu.memory_space<vmem>>
    %dma_wait3A_150 = tpu.memref_slice %arg5[%add3A_45] : memref<320000xi32, #tpu.memory_space<hbm>> -> memref<2000xi32, #tpu.memory_space<hbm>>
    tpu.wait_dma2 semaphore(%arg12 : memref<!tpu.dma_semaphore, #tpu.memory_space<semaphore_mem>>) src(%dma_wait3A_150 : memref<2000xi32, #tpu.memory_space<hbm>>) dst(%dma_wait3A_149 : memref<2000xi32, #tpu.memory_space<vmem>>)
    %parallel_loop3A_151 = arith.constant 6000 : i32
    %parallel_loop3A_152 = arith.constant 8000 : i32
    %parallel_loop3A_153 = arith.constant 16 : i32
    scf.for %parallel_loop3A_225 = %parallel_loop3A_151 to %parallel_loop3A_152 step %parallel_loop3A_153  : i32 {
      %parallel_loop3A_226 = arith.index_cast %parallel_loop3A_225 : i32 to index
      %parallel_loop3A_227 = tpu.vector_load %arg9[%parallel_loop3A_226] {strides = array<i32>} : memref<10000xi32, #tpu.memory_space<vmem>>, vector<16xi32>,
      %parallel_loop3A_228 = tpu.vector_load_idx %arg7[%parallel_loop3A_227] : memref<10240xf32, #tpu.memory_space<vmem>>[vector<16xi32>], vector<16xf32>,
      %parallel_loop3A_229 = arith.index_cast %parallel_loop3A_225 : i32 to index
      %parallel_loop3A_230 = tpu.vector_load %arg10[%parallel_loop3A_229] {strides = array<i32>} : memref<10000xi32, #tpu.memory_space<vmem>>, vector<16xi32>,
      %parallel_loop3A_231 = tpu.vector_load_idx %arg8[%parallel_loop3A_230] : memref<10240xf32, #tpu.memory_space<vmem>>[vector<16xi32>], vector<16xf32>,
      %parallel_loop3A_232 = arith.addf %parallel_loop3A_228, %parallel_loop3A_231 : vector<16xf32>
      %parallel_loop3A_233 = arith.index_cast %parallel_loop3A_225 : i32 to index
      %parallel_loop3A_234 = tpu.vector_load %arg11[%parallel_loop3A_233] {strides = array<i32>} : memref<10000xf32, #tpu.memory_space<vmem>>, vector<16xf32>,
      tpu.vector_store %arg11[%parallel_loop3A_233], %parallel_loop3A_232 {strides = array<i32>} : memref<10000xf32, #tpu.memory_space<vmem>>, vector<16xf32>,
    } {sc.loop_unroll_factor = 8 : i64, sc.parallel_access}
    %add3A_154 = arith.constant 6000 : i32
    %add3A_155 = arith.addi %mul3A_2, %add3A_154 : i32
    %dma_start3A_156 = arith.constant 6000 : i32
    %dma_start3A_157 = tpu.memref_slice %arg11[%dma_start3A_156] : memref<10000xf32, #tpu.memory_space<vmem>> -> memref<2000xf32, #tpu.memory_space<vmem>>
    %dma_start3A_158 = tpu.memref_slice %arg6[%add3A_155] : memref<320000xf32, #tpu.memory_space<hbm>> -> memref<2000xf32, #tpu.memory_space<hbm>>
    %dma_start3A_159 = tpu.memref_slice %arg6[%add3A_155] : memref<320000xf32, #tpu.memory_space<hbm>> -> memref<2000xf32, #tpu.memory_space<hbm>>
    %dma_start3A_160 = arith.constant 6000 : i32
    %dma_start3A_161 = tpu.memref_slice %arg11[%dma_start3A_160] : memref<10000xf32, #tpu.memory_space<vmem>> -> memref<2000xf32, #tpu.memory_space<vmem>>
    tpu.enqueue_dma source(%dma_start3A_161 : memref<2000xf32, #tpu.memory_space<vmem>>) target(%dma_start3A_159 : memref<2000xf32, #tpu.memory_space<hbm>>) target_semaphore(%arg13 : memref<!tpu.dma_semaphore, #tpu.memory_space<semaphore_mem>>)
    %dma_wait3A_162 = arith.constant 8000 : i32
    %dma_wait3A_163 = tpu.memref_slice %arg9[%dma_wait3A_162] : memref<10000xi32, #tpu.memory_space<vmem>> -> memref<2000xi32, #tpu.memory_space<vmem>>
    %dma_wait3A_164 = tpu.memref_slice %arg4[%add3A_59] : memref<320000xi32, #tpu.memory_space<hbm>> -> memref<2000xi32, #tpu.memory_space<hbm>>
    %dma_wait3A_165 = arith.constant 8000 : i32
    %dma_wait3A_166 = tpu.memref_slice %arg9[%dma_wait3A_165] : memref<10000xi32, #tpu.memory_space<vmem>> -> memref<2000xi32, #tpu.memory_space<vmem>>
    %dma_wait3A_167 = tpu.memref_slice %arg4[%add3A_59] : memref<320000xi32, #tpu.memory_space<hbm>> -> memref<2000xi32, #tpu.memory_space<hbm>>
    tpu.wait_dma2 semaphore(%arg12 : memref<!tpu.dma_semaphore, #tpu.memory_space<semaphore_mem>>) src(%dma_wait3A_167 : memref<2000xi32, #tpu.memory_space<hbm>>) dst(%dma_wait3A_166 : memref<2000xi32, #tpu.memory_space<vmem>>)
    %dma_wait3A_168 = arith.constant 8000 : i32
    %dma_wait3A_169 = tpu.memref_slice %arg10[%dma_wait3A_168] : memref<10000xi32, #tpu.memory_space<vmem>> -> memref<2000xi32, #tpu.memory_space<vmem>>
    %dma_wait3A_170 = tpu.memref_slice %arg5[%add3A_59] : memref<320000xi32, #tpu.memory_space<hbm>> -> memref<2000xi32, #tpu.memory_space<hbm>>
    %dma_wait3A_171 = arith.constant 8000 : i32
    %dma_wait3A_172 = tpu.memref_slice %arg10[%dma_wait3A_171] : memref<10000xi32, #tpu.memory_space<vmem>> -> memref<2000xi32, #tpu.memory_space<vmem>>
    %dma_wait3A_173 = tpu.memref_slice %arg5[%add3A_59] : memref<320000xi32, #tpu.memory_space<hbm>> -> memref<2000xi32, #tpu.memory_space<hbm>>
    tpu.wait_dma2 semaphore(%arg12 : memref<!tpu.dma_semaphore, #tpu.memory_space<semaphore_mem>>) src(%dma_wait3A_173 : memref<2000xi32, #tpu.memory_space<hbm>>) dst(%dma_wait3A_172 : memref<2000xi32, #tpu.memory_space<vmem>>)
    %parallel_loop3A_174 = arith.constant 8000 : i32
    %parallel_loop3A_175 = arith.constant 10000 : i32
    %parallel_loop3A_176 = arith.constant 16 : i32
    scf.for %parallel_loop3A_225 = %parallel_loop3A_174 to %parallel_loop3A_175 step %parallel_loop3A_176  : i32 {
      %parallel_loop3A_226 = arith.index_cast %parallel_loop3A_225 : i32 to index
      %parallel_loop3A_227 = tpu.vector_load %arg9[%parallel_loop3A_226] {strides = array<i32>} : memref<10000xi32, #tpu.memory_space<vmem>>, vector<16xi32>,
      %parallel_loop3A_228 = tpu.vector_load_idx %arg7[%parallel_loop3A_227] : memref<10240xf32, #tpu.memory_space<vmem>>[vector<16xi32>], vector<16xf32>,
      %parallel_loop3A_229 = arith.index_cast %parallel_loop3A_225 : i32 to index
      %parallel_loop3A_230 = tpu.vector_load %arg10[%parallel_loop3A_229] {strides = array<i32>} : memref<10000xi32, #tpu.memory_space<vmem>>, vector<16xi32>,
      %parallel_loop3A_231 = tpu.vector_load_idx %arg8[%parallel_loop3A_230] : memref<10240xf32, #tpu.memory_space<vmem>>[vector<16xi32>], vector<16xf32>,
      %parallel_loop3A_232 = arith.addf %parallel_loop3A_228, %parallel_loop3A_231 : vector<16xf32>
      %parallel_loop3A_233 = arith.index_cast %parallel_loop3A_225 : i32 to index
      %parallel_loop3A_234 = tpu.vector_load %arg11[%parallel_loop3A_233] {strides = array<i32>} : memref<10000xf32, #tpu.memory_space<vmem>>, vector<16xf32>,
      tpu.vector_store %arg11[%parallel_loop3A_233], %parallel_loop3A_232 {strides = array<i32>} : memref<10000xf32, #tpu.memory_space<vmem>>, vector<16xf32>,
    } {sc.loop_unroll_factor = 8 : i64, sc.parallel_access}
    %add3A_177 = arith.constant 8000 : i32
    %add3A_178 = arith.addi %mul3A_2, %add3A_177 : i32
    %dma_start3A_179 = arith.constant 8000 : i32
    %dma_start3A_180 = tpu.memref_slice %arg11[%dma_start3A_179] : memref<10000xf32, #tpu.memory_space<vmem>> -> memref<2000xf32, #tpu.memory_space<vmem>>
    %dma_start3A_181 = tpu.memref_slice %arg6[%add3A_178] : memref<320000xf32, #tpu.memory_space<hbm>> -> memref<2000xf32, #tpu.memory_space<hbm>>
    %dma_start3A_182 = tpu.memref_slice %arg6[%add3A_178] : memref<320000xf32, #tpu.memory_space<hbm>> -> memref<2000xf32, #tpu.memory_space<hbm>>
    %dma_start3A_183 = arith.constant 8000 : i32
    %dma_start3A_184 = tpu.memref_slice %arg11[%dma_start3A_183] : memref<10000xf32, #tpu.memory_space<vmem>> -> memref<2000xf32, #tpu.memory_space<vmem>>
    tpu.enqueue_dma source(%dma_start3A_184 : memref<2000xf32, #tpu.memory_space<vmem>>) target(%dma_start3A_182 : memref<2000xf32, #tpu.memory_space<hbm>>) target_semaphore(%arg13 : memref<!tpu.dma_semaphore, #tpu.memory_space<semaphore_mem>>)
    %add3A_185 = arith.constant 0 : i32
    %add3A_186 = arith.addi %mul3A_2, %add3A_185 : i32
    %dma_wait3A_187 = arith.constant 0 : i32
    %dma_wait3A_188 = tpu.memref_slice %arg11[%dma_wait3A_187] : memref<10000xf32, #tpu.memory_space<vmem>> -> memref<2000xf32, #tpu.memory_space<vmem>>
    %dma_wait3A_189 = tpu.memref_slice %arg6[%add3A_186] : memref<320000xf32, #tpu.memory_space<hbm>> -> memref<2000xf32, #tpu.memory_space<hbm>>
    %dma_wait3A_190 = tpu.memref_slice %arg6[%add3A_186] : memref<320000xf32, #tpu.memory_space<hbm>> -> memref<2000xf32, #tpu.memory_space<hbm>>
    %dma_wait3A_191 = arith.constant 0 : i32
    %dma_wait3A_192 = tpu.memref_slice %arg11[%dma_wait3A_191] : memref<10000xf32, #tpu.memory_space<vmem>> -> memref<2000xf32, #tpu.memory_space<vmem>>
    tpu.wait_dma2 semaphore(%arg13 : memref<!tpu.dma_semaphore, #tpu.memory_space<semaphore_mem>>) src(%dma_wait3A_192 : memref<2000xf32, #tpu.memory_space<vmem>>) dst(%dma_wait3A_190 : memref<2000xf32, #tpu.memory_space<hbm>>)
    %add3A_193 = arith.constant 2000 : i32
    %add3A_194 = arith.addi %mul3A_2, %add3A_193 : i32
    %dma_wait3A_195 = arith.constant 2000 : i32
    %dma_wait3A_196 = tpu.memref_slice %arg11[%dma_wait3A_195] : memref<10000xf32, #tpu.memory_space<vmem>> -> memref<2000xf32, #tpu.memory_space<vmem>>
    %dma_wait3A_197 = tpu.memref_slice %arg6[%add3A_194] : memref<320000xf32, #tpu.memory_space<hbm>> -> memref<2000xf32, #tpu.memory_space<hbm>>
    %dma_wait3A_198 = tpu.memref_slice %arg6[%add3A_194] : memref<320000xf32, #tpu.memory_space<hbm>> -> memref<2000xf32, #tpu.memory_space<hbm>>
    %dma_wait3A_199 = arith.constant 2000 : i32
    %dma_wait3A_200 = tpu.memref_slice %arg11[%dma_wait3A_199] : memref<10000xf32, #tpu.memory_space<vmem>> -> memref<2000xf32, #tpu.memory_space<vmem>>
    tpu.wait_dma2 semaphore(%arg13 : memref<!tpu.dma_semaphore, #tpu.memory_space<semaphore_mem>>) src(%dma_wait3A_200 : memref<2000xf32, #tpu.memory_space<vmem>>) dst(%dma_wait3A_198 : memref<2000xf32, #tpu.memory_space<hbm>>)
    %add3A_201 = arith.constant 4000 : i32
    %add3A_202 = arith.addi %mul3A_2, %add3A_201 : i32
    %dma_wait3A_203 = arith.constant 4000 : i32
    %dma_wait3A_204 = tpu.memref_slice %arg11[%dma_wait3A_203] : memref<10000xf32, #tpu.memory_space<vmem>> -> memref<2000xf32, #tpu.memory_space<vmem>>
    %dma_wait3A_205 = tpu.memref_slice %arg6[%add3A_202] : memref<320000xf32, #tpu.memory_space<hbm>> -> memref<2000xf32, #tpu.memory_space<hbm>>
    %dma_wait3A_206 = tpu.memref_slice %arg6[%add3A_202] : memref<320000xf32, #tpu.memory_space<hbm>> -> memref<2000xf32, #tpu.memory_space<hbm>>
    %dma_wait3A_207 = arith.constant 4000 : i32
    %dma_wait3A_208 = tpu.memref_slice %arg11[%dma_wait3A_207] : memref<10000xf32, #tpu.memory_space<vmem>> -> memref<2000xf32, #tpu.memory_space<vmem>>
    tpu.wait_dma2 semaphore(%arg13 : memref<!tpu.dma_semaphore, #tpu.memory_space<semaphore_mem>>) src(%dma_wait3A_208 : memref<2000xf32, #tpu.memory_space<vmem>>) dst(%dma_wait3A_206 : memref<2000xf32, #tpu.memory_space<hbm>>)
    %add3A_209 = arith.constant 6000 : i32
    %add3A_210 = arith.addi %mul3A_2, %add3A_209 : i32
    %dma_wait3A_211 = arith.constant 6000 : i32
    %dma_wait3A_212 = tpu.memref_slice %arg11[%dma_wait3A_211] : memref<10000xf32, #tpu.memory_space<vmem>> -> memref<2000xf32, #tpu.memory_space<vmem>>
    %dma_wait3A_213 = tpu.memref_slice %arg6[%add3A_210] : memref<320000xf32, #tpu.memory_space<hbm>> -> memref<2000xf32, #tpu.memory_space<hbm>>
    %dma_wait3A_214 = tpu.memref_slice %arg6[%add3A_210] : memref<320000xf32, #tpu.memory_space<hbm>> -> memref<2000xf32, #tpu.memory_space<hbm>>
    %dma_wait3A_215 = arith.constant 6000 : i32
    %dma_wait3A_216 = tpu.memref_slice %arg11[%dma_wait3A_215] : memref<10000xf32, #tpu.memory_space<vmem>> -> memref<2000xf32, #tpu.memory_space<vmem>>
    tpu.wait_dma2 semaphore(%arg13 : memref<!tpu.dma_semaphore, #tpu.memory_space<semaphore_mem>>) src(%dma_wait3A_216 : memref<2000xf32, #tpu.memory_space<vmem>>) dst(%dma_wait3A_214 : memref<2000xf32, #tpu.memory_space<hbm>>)
    %add3A_217 = arith.constant 8000 : i32
    %add3A_218 = arith.addi %mul3A_2, %add3A_217 : i32
    %dma_wait3A_219 = arith.constant 8000 : i32
    %dma_wait3A_220 = tpu.memref_slice %arg11[%dma_wait3A_219] : memref<10000xf32, #tpu.memory_space<vmem>> -> memref<2000xf32, #tpu.memory_space<vmem>>
    %dma_wait3A_221 = tpu.memref_slice %arg6[%add3A_218] : memref<320000xf32, #tpu.memory_space<hbm>> -> memref<2000xf32, #tpu.memory_space<hbm>>
    %dma_wait3A_222 = tpu.memref_slice %arg6[%add3A_218] : memref<320000xf32, #tpu.memory_space<hbm>> -> memref<2000xf32, #tpu.memory_space<hbm>>
    %dma_wait3A_223 = arith.constant 8000 : i32
    %dma_wait3A_224 = tpu.memref_slice %arg11[%dma_wait3A_223] : memref<10000xf32, #tpu.memory_space<vmem>> -> memref<2000xf32, #tpu.memory_space<vmem>>
    tpu.wait_dma2 semaphore(%arg13 : memref<!tpu.dma_semaphore, #tpu.memory_space<semaphore_mem>>) src(%dma_wait3A_224 : memref<2000xf32, #tpu.memory_space<vmem>>) dst(%dma_wait3A_222 : memref<2000xf32, #tpu.memory_space<hbm>>)
    return
  }
}

module attributes {stable_mosaic.version = 14 : i64} {
  func.func @_tc_tables_body(%arg0: i32, %arg1: memref<5120x128xf32, #tpu.memory_space<vmem>>, %arg2: memref<2x128xf32, #tpu.memory_space<vmem>>, %arg3: memref<1xf32, #tpu.memory_space<smem>>, %arg4: memref<5120xf32, #tpu.memory_space<vmem>>, %arg5: memref<5120xf32, #tpu.memory_space<vmem>>) attributes {dimension_semantics = [#tpu.dimension_semantics<arbitrary>], iteration_bounds = array<i64: 2>, scalar_prefetch = 0 : i64, scratch_operands = 0 : i64, tpu.core_type = #tpu.core_type<tc>, window_params = [{transform_indices = @transform_0, window_bounds = array<i64: 5120, 128>}, {pipeline_mode = #tpu.pipeline_mode<synchronous>, transform_indices = @transform_1, window_bounds = array<i64: 2, 128>}, {transform_indices = @transform_2, window_bounds = array<i64: 1>}, {transform_indices = @transform_3, window_bounds = array<i64: 5120>}, {transform_indices = @transform_4, window_bounds = array<i64: 5120>}]} {
    %get3A = arith.constant 0 : index
    %get3A_0 = arith.constant 0 : index
    %get3A_1 = vector.load %arg2[%get3A, %get3A_0] : memref<2x128xf32, #tpu.memory_space<vmem>>, vector<2x128xf32>
    %get3A_2 = arith.constant 0 : index
    %get3A_3 = arith.constant 0 : index
    %get3A_4 = vector.load %arg1[%get3A_2, %get3A_3] : memref<5120x128xf32, #tpu.memory_space<vmem>>, vector<5120x128xf32>
    %dot_general3A = arith.constant dense<0.000000e+00> : vector<2x5120xf32>
    %dot_general3A_5 = tpu.matmul %get3A_1, %get3A_4, %dot_general3A {dimension_numbers = #tpu.dot_dimension_numbers<[1], [1], [0], [0], [0, 0, 1, 0], [], []>, transpose_lhs_hint = false} : vector<2x128xf32>, vector<5120x128xf32>, vector<2x5120xf32> -> vector<2x5120xf32>
    %slice3A = vector.extract_strided_slice %dot_general3A_5 {offsets = [0, 0], sizes = [1, 5120], strides = [1, 1]} : vector<2x5120xf32> to vector<1x5120xf32>
    %reshape3A = vector.shape_cast %slice3A : vector<1x5120xf32> to vector<5120xf32>
    %get3A_6 = arith.constant 0 : index
    %get3A_7 = memref.load %arg3[%get3A_6] : memref<1xf32, #tpu.memory_space<smem>>
    %add3A = vector.broadcast %get3A_7 : f32 to vector<5120xf32>
    %add3A_8 = arith.addf %reshape3A, %add3A : vector<5120xf32>
    %swap3A = arith.constant 0 : index
    %swap3A_9 = vector.load %arg4[%swap3A] : memref<5120xf32, #tpu.memory_space<vmem>>, vector<5120xf32>
    tpu.vector_store %arg4[%swap3A], %add3A_8 {strides = array<i32>} : memref<5120xf32, #tpu.memory_space<vmem>>, vector<5120xf32>,
    %slice3A_10 = vector.extract_strided_slice %dot_general3A_5 {offsets = [1, 0], sizes = [1, 5120], strides = [1, 1]} : vector<2x5120xf32> to vector<1x5120xf32>
    %reshape3A_11 = vector.shape_cast %slice3A_10 : vector<1x5120xf32> to vector<5120xf32>
    %swap3A_12 = arith.constant 0 : index
    %swap3A_13 = vector.load %arg5[%swap3A_12] : memref<5120xf32, #tpu.memory_space<vmem>>, vector<5120xf32>
    tpu.vector_store %arg5[%swap3A_12], %reshape3A_11 {strides = array<i32>} : memref<5120xf32, #tpu.memory_space<vmem>>, vector<5120xf32>,
    return
  }
  func.func @transform_0(%arg0: i32) -> (i32, i32) {
    %c0_i32 = arith.constant 0 : i32
    %c0_i32_0 = arith.constant 0 : i32
    return %arg0, %c0_i32 : i32, i32
  }
  func.func @transform_1(%arg0: i32) -> (i32, i32) {
    %c0_i32 = arith.constant 0 : i32
    %c0_i32_0 = arith.constant 0 : i32
    %c0_i32_1 = arith.constant 0 : i32
    return %c0_i32, %c0_i32_0 : i32, i32
  }
  func.func @transform_2(%arg0: i32) -> i32 {
    %c0_i32 = arith.constant 0 : i32
    %c0_i32_0 = arith.constant 0 : i32
    return %c0_i32 : i32
  }
  func.func @transform_3(%arg0: i32) -> i32 {
    %c0_i32 = arith.constant 0 : i32
    return %arg0 : i32
  }
  func.func @transform_4(%arg0: i32) -> i32 {
    %c0_i32 = arith.constant 0 : i32
    return %arg0 : i32
  }
}

</mosaic_0001>

<sc_bundles>
// kernel: kernel.4.cloned.1.call-start
scs
__scs_entry_jumppad:
0x0: {  	(pc) =	sbr.rel $0x88, $3  }
0x1: {  	(tag) =	ssettag $0x0;
	lr =	simm.s32 $0x1  }
0x2: {  	[smem:$0x3F9D] =	sst lr;
	_ =	strace $0xD0000000  }
0x3: {  	_ = 	snop  }
0x4: {  	_ = 	snop  }
0x5: {  	_ = 	snop  }
0x6: {  	_ = 	snop  }
0x7: {  	_ = 	snop  }
__scs_overlays_trampoline_lowered:
0x8: {  	[smem:$0x3FAC] =	sst s0  }
0x9: {  	[smem:$0x3FAD] =	sst s1  }
0xa: {  	[smem:$0x3FAE] =	sst s2  }
0xb: {  	[smem:$0x3FAF] =	sst s3  }
0xc: {  	[smem:$0x3FB0] =	sst s4  }
0xd: {  	[smem:$0x3FB1] =	sst s5  }
0xe: {  	[smem:$0x3FB2] =	sst s6  }
0xf: {  	[smem:$0x3FB3] =	sst s7  }
0x10: {  	[smem:$0x3FB4] =	sst s8  }
0x11: {  	[smem:$0x3FB5] =	sst s9;
	s0 =	simm.s32 @!p0 $0x0  }
0x12: {  	s1 =	sld [smem:$0x3F9B];
	s0 =	simm.s32 @p0 $0x1  }
0x13: {  	[smem:$0x3FB6] =	sst s0;
	s0 =	simm.s32 @!p1 $0x0  }
0x14: {  	s2 =	sld [smem:$0x3F9A];
	s0 =	simm.s32 @p1 $0x1  }
0x15: {  	[smem:$0x3FB7] =	sst s0;
	s0 =	simm.s32 @!p2 $0x0  }
0x16: {  	s3 =	sld [smem:$0x3FDB];
	s0 =	simm.s32 @p2 $0x1  }
0x17: {  	s4 =	simm.s32 $0x1BF5;
	[smem:$0x3FB9] =	sst s0  }
0x18: {  	s0 =	sld [smem:$0x3F9C];
	_ =	swait.ge [sflag:s4], $0x0  }
0x19: {  	s7 =	sld [smem:$0x3F9D]  }
0x1a: {  	s8 =	sadd.s32 $0xFFFFE003, lr  }
0x1b: {  	s9 =	sadd.s32 $0xFFFFFEF7, lr;
	s5 =	simm.s32 $0xFFFFFFFF;
	p2 =	slt.u32 s8, $0xFFFFF086  }
0x1c: {  	p1 =	slt.u32 s9, $0xF7A;
	s5 =	simm.s32 @!p2 $0x0  }
0x1d: {  	s5 =	simm.s32 @p1 $0x1;
	p0 =	seq.s32 s7, s2  }
0x1e: {  	s7 =	smul.u32 @!p0 $0xF7A, s2;
	p2 =	seq.s32 @!p0 s5, $0x0  }
0x1f: {  	s9 =	smul.u32 $0xF7A, s1;
	s8 =	simm.s32 @!p0 $0x1BF5;
	p2 =	por !p2, p0  }
0x20: {  	[sflag:s8] =	ssyncset.s32 @!p0 $0xFFFFF086;
	s6 =	sadd.s32 @!p0 s3, s7;
	s7 =	simm.s32 @!p0 $0x108  }
0x21: {  	s3 =	sadd.s32 s3, s9;
	s6 =	sadd.s32 @!p0 $0x88, s6;
	s7 =	simm.s32 @p2 $0x1082  }
0x22: {  	[simem:s7], [sflag:s8] =	dma.local @!p0 [hbm:s6], $0xF7A  }
0x23: {  	s9 =	sor.u32 $0xD0000000, s2;
	s6 =	simm.s32 $0x108;
	_ =	swait.ge @!p0 [sflag:s8], $0x0  }
0x24: {  	s3 =	sadd.s32 $0x88, s3;
	s6 =	simm.s32 @!p1 $0x1082;
	[sflag:s4] =	ssyncset.s32 $0xFFFFF086  }
0x25: {  	[simem:s6], [sflag:s4] =	dma.local [hbm:s3], $0xF7A  }
0x26: {  	[smem:$0x3F9D] =	sst s1;
	(tag) =	ssettag s2;
	_ =	strace s9  }
0x27: {  	s1 =	sld [smem:$0x3FAD]  }
0x28: {  	s2 =	sld [smem:$0x3FAE]  }
0x29: {  	s4 =	sld [smem:$0x3FB0]  }
0x2a: {  	p0 =	seq.s32 s5, $0x0;
	s5 =	sld [smem:$0x3FB1]  }
0x2b: {  	s6 =	sld [smem:$0x3FB2]  }
0x2c: {  	s7 =	sld [smem:$0x3FB3]  }
0x2d: {  	s3 =	simm.s32 $0x108;
	s8 =	sld [smem:$0x3FB4]  }
0x2e: {  	s3 =	simm.s32 @!p0 $0x1082;
	s9 =	sld [smem:$0x3FB5]  }
0x2f: {  	lr =	sadd.s32 s0, s3;
	s0 =	sld [smem:$0x3FAC]  }
0x30: {  	s3 =	sld [smem:$0x3FAF]  }
0x31: {  	[smem:$0x3FB8] =	sst s10  }
0x32: {  	s10 =	sld [smem:$0x3FB6];
	_ =	sdelay $0x3  }
0x33: {  	p0 =	seq.s32 s10, $0x1;
	s10 =	sld [smem:$0x3FB8];
	_ =	sdelay $0x3  }
0x34: {  	[smem:$0x3FB8] =	sst s10  }
0x35: {  	s10 =	sld [smem:$0x3FB7];
	_ =	sdelay $0x3  }
0x36: {  	p1 =	seq.s32 s10, $0x1;
	s10 =	sld [smem:$0x3FB8];
	_ =	sdelay $0x3  }
0x37: {  	[smem:$0x3FB8] =	sst s10  }
0x38: {  	s10 =	sld [smem:$0x3FB9]  }
0x39: {  	_ = 	snop;
	(pc) =	sbr.ind lr, $3  }
0x3a: {  	_ = 	snop  }
0x3b: {  	_ = 	snop  }
0x3c: {  	p2 =	seq.s32 s10, $0x1;
	s10 =	sld [smem:$0x3FB8]  }
0x3d: {  	_ =	shalt  }
0x3e: {  	_ =	shalt  }
0x3f: {  	_ =	shalt  }
0x40: {  	_ =	shalt  }
0x41: {  	_ =	shalt  }
0x42: {  	_ =	shalt  }
0x43: {  	_ =	shalt  }
0x44: {  	_ =	shalt  }
0x45: {  	_ =	shalt  }
0x46: {  	_ =	shalt  }
0x47: {  	_ =	shalt  }
0x48: {  	_ =	shalt  }
0x49: {  	_ =	shalt  }
0x4a: {  	_ =	shalt  }
0x4b: {  	_ =	shalt  }
0x4c: {  	_ =	shalt  }
0x4d: {  	_ =	shalt  }
0x4e: {  	_ =	shalt  }
0x4f: {  	_ =	shalt  }
0x50: {  	_ =	shalt  }
0x51: {  	_ =	shalt  }
0x52: {  	_ =	shalt  }
0x53: {  	_ =	shalt  }
0x54: {  	_ =	shalt  }
0x55: {  	_ =	shalt  }
0x56: {  	_ =	shalt  }
0x57: {  	_ =	shalt  }
0x58: {  	_ =	shalt  }
0x59: {  	_ =	shalt  }
0x5a: {  	_ =	shalt  }
0x5b: {  	_ =	shalt  }
0x5c: {  	_ =	shalt  }
0x5d: {  	_ =	shalt  }
0x5e: {  	_ =	shalt  }
0x5f: {  	_ =	shalt  }
0x60: {  	_ =	shalt  }
0x61: {  	_ =	shalt  }
0x62: {  	_ =	shalt  }
0x63: {  	_ =	shalt  }
0x64: {  	_ =	shalt  }
0x65: {  	_ =	shalt  }
0x66: {  	_ =	shalt  }
0x67: {  	_ =	shalt  }
0x68: {  	_ =	shalt  }
0x69: {  	_ =	shalt  }
0x6a: {  	_ =	shalt  }
0x6b: {  	_ =	shalt  }
0x6c: {  	_ =	shalt  }
0x6d: {  	_ =	shalt  }
0x6e: {  	_ =	shalt  }
0x6f: {  	_ =	shalt  }
0x70: {  	_ =	shalt  }
0x71: {  	_ =	shalt  }
0x72: {  	_ =	shalt  }
0x73: {  	_ =	shalt  }
0x74: {  	_ =	shalt  }
0x75: {  	_ =	shalt  }
0x76: {  	_ =	shalt  }
0x77: {  	_ =	shalt  }
0x78: {  	_ =	shalt  }
0x79: {  	_ =	shalt  }
0x7a: {  	_ =	shalt  }
0x7b: {  	_ =	shalt  }
0x7c: {  	_ =	shalt  }
0x7d: {  	_ =	shalt  }
0x7e: {  	_ =	shalt  }
0x7f: {  	_ =	shalt  }
0x80: {  	_ =	shalt  }
0x81: {  	_ =	shalt  }
0x82: {  	_ =	shalt  }
0x83: {  	_ =	shalt  }
0x84: {  	_ =	shalt  }
0x85: {  	_ =	shalt  }
0x86: {  	_ =	shalt  }
0x87: {  	_ =	shalt  }
.Lfunc_end0:
.L_simem_size_0:
called_computation_lowered:
.L_overlay_start_0:
0x88: {  	s2 =	sld [smem:$0x3FD9]  }
0x89: {  	s3 =	sld [smem:$0x3FFE];
	_ =	sdelay $0x1  }
0x8a: {  	s1 =	srdreg.scid  }
0x8b: {  	s0 =	sand.u32 $0x1, s1  }
0x8c: {  	s17 =	sshll.u32 s0, $0xA;
	s2 =	sadd.s32 s3, s2  }
0x8d: {  	s2 =	sadd.s32 s2, s17  }
0x8e: {  	[smem:$0x3FC4] =	sst s2  }
0x8f: {  	_ = 	snop  }
0x90: {  	s2 =	sld [smem:$0x3FD0];
	(tm) =	ssettm $0x1  }
0x91: {  	s18 =	sld [smem:$0x3FFB];
	_ =	sdelay $0x3  }
0x92: {  	_ =	strace s18  }
0x93: {  	s3 =	sld [smem:$0x3FFC];
	_ =	sdelay $0x3  }
0x94: {  	_ =	strace s3  }
0x95: {  	s3 =	sld [smem:$0x3FFD];
	_ =	sdelay $0x3  }
0x96: {  	_ =	strace s3  }
0x97: {  	_ =	strace $0x8FFFFFFF  }
0x98: {  	s19 =	sld [smem:$0x3FDB];
	_ =	sdelay $0x1  }
0x99: {  	s4 =	simm.s32 $_scs_section_size  }
0x9a: {  	s5 =	simm.s32 $_size__tile_overlayer_lowered;
	s6 =	simm.s32 $_tile_overlayer_lowered  }
0x9b: {  	s22 =	simm.s32 $0x1BFF;
	s21 =	sshll.u32 s6, $0x1;
	s3 =	sadd.s32 s4, s19  }
0x9c: {  	s7 =	simm.s32 $0x0;
	s20 =	sshll.u32 s5, $0x1;
	s5 =	sadd.s32 s21, s3  }
0x9d: {  	[timem:s7], [sflag:s22] =	dma.local [hbm:s5], s20  }
0x9e: {  	_ =	swait.ge [sflag:s22], s20  }
0x9f: {  	s4 =	ssub.s32 $0x0, s20;
	[sflag:s22] =	ssyncset.done $0x0  }
0xa0: {  	[sflag:s22] =	ssyncadd.s32 s4;
	_ =	sdelay $0x1  }
0xa1: {  	s23 =	simm.s32 $0x1B8B  }
0xa2: {  	_ =	swait.ge [sflag:s23], $0x1  }
0xa3: {  	[sflag:s23] =	ssyncset.done $0x0  }
0xa4: {  	s25 =	simm.s32 $0x1B8E;
	s24 =	sld [smem:$0x3FFE];
	[sflag:s23] =	ssyncadd.s32 $0xFFFFFFFF  }
0xa5: {  	s26 =	simm.s32 $execute0_lowered;
	[smem:$0x3FD2] =	sst s25  }
0xa6: {  	s5 =	sshll.u32 s26, $0x1;
	_ =	strace $0x80000046;
	[dreg:$0x1] =	wrdreg $0xFFFFFFFF  }
0xa7: {  	s28 =	simm.s32 $_size_execute0_lowered;
	s3 =	sadd.s32 s3, s5;
	[dreg:$0x0] =	wrdreg $0x0  }
0xa8: {  	s5 =	sshll.u32 s28, $0x1;
	[dreg:$0x2] =	wrdreg s3  }
0xa9: {  	[dreg:$0x3] =	wrdreg s5  }
0xaa: {  	[dreg:$0x4] =	wrdreg $0xC0  }
0xab: {  	_ =	task [dreg:s7], $0x5FFFF  }
0xac: {  	[dreg:$0x1] =	wrdreg $0xFFFFFFFF  }
0xad: {  	[dreg:$0x0] =	wrdreg $0x60  }
0xae: {  	[dreg:$0x2] =	wrdreg s2  }
0xaf: {  	[dreg:$0x3] =	wrdreg s24  }
0xb0: {  	[dreg:$0x4] =	wrdreg $0x9  }
0xb1: {  	_ =	task.clear_ibuf [dreg:s7], $0x5FFFF;
	_ =	strace $0x90000046  }
0xb2: {  	s29 =	simm.s32 $0x9;
	_ =	strace $0x80000048  }
0xb3: {  	_ =	swait.ge [sflag:s29], $0x1  }
0xb4: {  	[sflag:s29] =	ssyncadd.s32 $0xFFFFFFFF  }
0xb5: {  	_ =	strace $0x90000048  }
0xb6: {  	_ =	sfence  }
0xb7: {  	s30 =	sld [smem:$0x0];
	_ =	sdelay $0x2  }
0xb8: {  	s31 =	sshll.u32 s1, $0xD;
	s1 =	sshrl.u32 s1, $0x2  }
0xb9: {  	s3 =	sand.u32 $0x4000, s31;
	s1 =	sadd.s32 s1, s30  }
0xba: {  	s0 =	sor.u32 s3, s0;
	s1 =	sshll.u32 s1, $0x11  }
0xbb: {  	s0 =	sor.u32 s1, s0  }
0xbc: {  	s0 =	sadd.s32 $0x8F2B, s0  }
0xbd: {  	[sflag:s0] =	ssyncadd.remote.s32 $0x1  }
0xbe: {  	_ =	sfence.sel $0xFFFF  }
0xbf: {  	[dreg:$0x0] =	wrdreg $0xFFFFFFFF;
	(pc) =	sbr.abs _section_cstart, $3  }
0xc0: {  	[dreg:$0x1] =	wrdreg $0xFFFFFFFF  }
0xc1: {  	_ =	task.clear_ibuf [dreg:s7], $0x2FFFF;
	_ =	strace $0x9FFFFFFF  }
0xc2: {  	(tm) =	ssettm $0x7FFFFFFF  }
0xc3: {  	_ =	shalt  }
tec
execute0_lowered:
.L_overlay_start_1:
0x0: {  	(tag) =	ssettag $0x1  }
0x1: {  	s0 =	rddreg [dreg:$0x1]  }
0x2: {  	s3 =	simm.s32 $0x0;
	s1 =	srdreg.scid;
	s2 =	stileid.u32  }
0x3: {  	s21 =	simm.s32 $0x2800;
	s25 =	simm.s32 $0xBE40;
	s26 =	simm.s32 $0x2  }
0x4: {  	s28 =	simm.s32 $0x0;
	s1 =	sand.u32 $0x1, s1;
	s2 =	sshll.u32 s2, $0x1  }
0x5: {  	[smem:$0x7FF] =	sst s3;
	s4 =	sadd.s32 $0x14200, s0;
	s2 =	sor.u32 s1, s2  }
0x6: {  	s13 =	sadd.s32 $0xA400, s0;
	s1 =	ssub.s32 $0x2, s1;
	s2 =	smul.u32 $0x2710, s2  }
0x7: {  	s14 =	sadd.s32 $0x600, s0;
	s0 =	sadd.s32 $0x14800, s0;
	s5 =	sshrl.u32 s1, $0x1  }
0x8: {  	_ =	strace $0x80000047;
	s1 =	ssub.s32 s1, s5;
	s2 =	sshrl.u32 s2, $0x3  }
0x9: {  	s20 =	smax.u32 s1, $0x1;
	s5 =	sadd.s32 s13, s2;
	s6 =	sadd.s32 s14, s2  }
0xa: {  	s16 =	sadd.s32 $0xFA, s2;
	s17 =	sadd.s32 $0x1F4, s2;
	s18 =	sadd.s32 $0x2EE, s2  }
0xb: {  	s19 =	sadd.s32 $0x3E8, s2;
	s15 =	sadd.s32 s0, s2;
	s2 =	simm.s32 $0x1  }
0xc: {  	s7 =	sadd.s32 s13, s16;
	s8 =	sadd.s32 s14, s16;
	s9 =	sadd.s32 s13, s17  }
0xd: {  	s10 =	sadd.s32 s14, s17;
	s11 =	sadd.s32 s13, s18;
	s12 =	sadd.s32 s14, s18  }
0xe: {  	s13 =	sadd.s32 s13, s19;
	s14 =	sadd.s32 s14, s19;
	s16 =	sadd.s32 s0, s16  }
0xf: {  	s17 =	sadd.s32 s0, s17;
	s18 =	sadd.s32 s0, s18;
	s19 =	sadd.s32 s0, s19  }
.LBB2_1:
0x10: {  	s0 =	rddreg [dreg:$0x0]  }
0x11: {  	[tilespmem:s3], [sflag:$0x1] =	stream.linear.gather [hbm4b:s0+s3], $0x2800, $0x38;
	[tilespmem:$0xC680] =	vst v63  }
0x12: {  	_ = 	snop  }
0x13: {  	[tilespmem:s21], [sflag:$0x1] =	stream.linear.gather [hbm4b:s4+s3], $0x2800, $0x38;
	[tilespmem:$0xC680] =	vst v63  }
0x14: {  	s22 =	simm.s32 $0x5000  }
0x15: {  	[tilespmem:s22], [sflag:$0x1] =	stream.linear.gather [hbm4b:s5+s3], $0x7D0, $0x38;
	[tilespmem:$0xC680] =	vst v63  }
0x16: {  	s23 =	simm.s32 $0x7780  }
0x17: {  	[tilespmem:s23], [sflag:$0x1] =	stream.linear.gather [hbm4b:s6+s3], $0x7D0, $0x38;
	[tilespmem:$0xC680] =	vst v63  }
0x18: {  	s24 =	simm.s32 $0x57D0  }
0x19: {  	[tilespmem:s24], [sflag:$0x1] =	stream.linear.gather [hbm4b:s7+s3], $0x7D0, $0x38;
	[tilespmem:$0xC680] =	vst v63  }
0x1a: {  	s1 =	simm.s32 $0x7F50  }
0x1b: {  	[tilespmem:s1], [sflag:$0x1] =	stream.linear.gather [hbm4b:s8+s3], $0x7D0, $0x38;
	[tilespmem:$0xC680] =	vst v63  }
0x1c: {  	s22 =	simm.s32 $0x5FA0  }
0x1d: {  	[tilespmem:s22], [sflag:$0x1] =	stream.linear.gather [hbm4b:s9+s3], $0x7D0, $0x38;
	[tilespmem:$0xC680] =	vst v63  }
0x1e: {  	s23 =	simm.s32 $0x8720  }
0x1f: {  	[tilespmem:s23], [sflag:$0x1] =	stream.linear.gather [hbm4b:s10+s3], $0x7D0, $0x38;
	[tilespmem:$0xC680] =	vst v63  }
0x20: {  	s24 =	simm.s32 $0x6770  }
0x21: {  	[tilespmem:s24], [sflag:$0x1] =	stream.linear.gather [hbm4b:s11+s3], $0x7D0, $0x38;
	[tilespmem:$0xC680] =	vst v63  }
0x22: {  	s1 =	simm.s32 $0x8EF0  }
0x23: {  	[tilespmem:s1], [sflag:$0x1] =	stream.linear.gather [hbm4b:s12+s3], $0x7D0, $0x38;
	[tilespmem:$0xC680] =	vst v63  }
0x24: {  	s22 =	simm.s32 $0x6F40  }
0x25: {  	[tilespmem:s22], [sflag:$0x1] =	stream.linear.gather [hbm4b:s13+s3], $0x7D0, $0x38;
	[tilespmem:$0xC680] =	vst v63  }
0x26: {  	s23 =	simm.s32 $0x96C0  }
0x27: {  	[tilespmem:s23], [sflag:$0x1] =	stream.linear.gather [hbm4b:s14+s3], $0x7D0, $0x38;
	[tilespmem:$0xC680] =	vst v63  }
0x28: {  	_ =	swait.ge [sflag:s2], $0x2800  }
0x29: {  	[sflag:s2] =	ssyncset.done $0x0  }
0x2a: {  	[sflag:s2] =	ssyncadd.s32 $0xFFFFD800  }
0x2b: {  	_ =	swait.ge [sflag:s2], $0x2800  }
0x2c: {  	[sflag:s2] =	ssyncset.done $0x0  }
0x2d: {  	[sflag:s2] =	ssyncadd.s32 $0xFFFFD800  }
0x2e: {  	_ =	swait.ge [sflag:s2], $0x7D0  }
0x2f: {  	[sflag:s2] =	ssyncset.done $0x0  }
0x30: {  	[sflag:s2] =	ssyncadd.s32 $0xFFFFF830  }
0x31: {  	_ =	swait.ge [sflag:s2], $0x7D0  }
0x32: {  	[sflag:s2] =	ssyncset.done $0x0  }
0x33: {  	s24 =	simm.s32 $0x5040;
	[sflag:s2] =	ssyncadd.s32 $0xFFFFF830  }
0x34: {  	s29 =	simm.s32 $0x77C0;
	v0 =	vld [tilespmem:s24+$0x30]  }
0x35: {  	v1 =	vld [tilespmem:s29+$0x30]  }
0x36: {  	v2 =	vld [tilespmem:s29+$0xFFFFFFC0]  }
0x37: {  	v3 =	vld [tilespmem:s24+$0xFFFFFFD0]  }
0x38: {  	v4 =	vld [tilespmem:s29+$0xFFFFFFD0]  }
0x39: {  	v5 =	vld [tilespmem:s24+$0xFFFFFFE0]  }
0x3a: {  	v6 =	vld [tilespmem:s29+$0xFFFFFFE0]  }
0x3b: {  	v7 =	vld [tilespmem:s24+$0xFFFFFFF0]  }
0x3c: {  	v9 =	vld [tilespmem:s24+$0x0]  }
0x3d: {  	v10 =	vld [tilespmem:s29+$0x0]  }
0x3e: {  	v11 =	vld [tilespmem:s24+$0x10]  }
0x3f: {  	v12 =	vld [tilespmem:s29+$0x10]  }
0x40: {  	v13 =	vld [tilespmem:s24+$0x20]  }
0x41: {  	v14 =	vld [tilespmem:s29+$0x20]  }
0x42: {  	v15 =	vld [tilespmem:s24+$0xFFFFFFC0]  }
0x43: {  	v8 =	vld.idx.msk [tilespmem:v0+s3+$0x0], $0xffff  }
0x44: {  	v1 =	vld.idx.msk [tilespmem:v1+s21+$0x0], $0xffff  }
0x45: {  	v0 =	vld [tilespmem:s29+$0xFFFFFFF0]  }
0x46: {  	v16 =	vld.idx.msk [tilespmem:v2+s21+$0x0], $0xffff  }
0x47: {  	v3 =	vld.idx.msk [tilespmem:v3+s3+$0x0], $0xffff  }
0x48: {  	v4 =	vld.idx.msk [tilespmem:v4+s21+$0x0], $0xffff  }
0x49: {  	v5 =	vld.idx.msk [tilespmem:v5+s3+$0x0], $0xffff  }
0x4a: {  	v6 =	vld.idx.msk [tilespmem:v6+s21+$0x0], $0xffff  }
0x4b: {  	v7 =	vld.idx.msk [tilespmem:v7+s3+$0x0], $0xffff  }
0x4c: {  	v15 =	vld.idx.msk [tilespmem:v15+s3+$0x0], $0xffff  }
0x4d: {  	v17 =	vld.idx.msk [tilespmem:v0+s21+$0x0], $0xffff  }
0x4e: {  	v2 =	vld.idx.msk [tilespmem:v10+s21+$0x0], $0xffff  }
0x4f: {  	v8 =	vadd.f32 v1, v8;
	v1 =	vld.idx.msk [tilespmem:v11+s3+$0x0], $0xffff  }
0x50: {  	s22 =	simm.s32 $0x9F40;
	v4 =	vadd.f32 v4, v3;
	v0 =	vld.idx.msk [tilespmem:v9+s3+$0x0], $0xffff  }
0x51: {  	v5 =	vadd.f32 v6, v5;
	v3 =	vld.idx.msk [tilespmem:v12+s21+$0x0], $0xffff;
	[tilespmem:s22+$0x30] =	vst v8  }
0x52: {  	s30 =	simm.s32 $0x5780;
	s31 =	simm.s32 $0x770;
	s0 =	simm.s32 $0xA680;
	[tilespmem:s22+$0xFFFFFFD0] =	vst v4;
	v4 =	vld.idx.msk [tilespmem:v13+s3+$0x0], $0xffff;
	v7 =	vadd.f32 v17, v7  }
0x53: {  	s1 =	simm.s32 $0x7F00;
	s23 =	simm.s32 $0x0;
	s24 =	simm.s32 $0x50C0;
	v6 =	vadd.f32 v16, v15;
	[tilespmem:s22+$0xFFFFFFE0] =	vst v5;
	v5 =	vld.idx.msk [tilespmem:v14+s21+$0x0], $0xffff  }
.LBB2_2:
0x54: {  	v8 =	vld [tilespmem:s24+$0x30];
	[tilespmem:s22+$0xFFFFFFF0] =	vst v7;
	s29 =	sadd.s32 $0x80, s29  }
0x55: {  	s23 =	sadd.s32 $0x80, s23;
	v0 =	vadd.f32 v2, v0;
	v7 =	vld [tilespmem:s29+$0x30];
	[tilespmem:s22+$0xFFFFFFC0] =	vst v6  }
0x56: {  	p0 =	slt.u32 s23, $0x700;
	v2 =	vld [tilespmem:s29+$0xFFFFFFC0]  }
0x57: {  	v6 =	vld [tilespmem:s24+$0xFFFFFFD0];
	[tilespmem:s22+$0x0] =	vst v0;
	v0 =	vadd.f32 v3, v1  }
0x58: {  	v1 =	vld [tilespmem:s29+$0xFFFFFFD0]  }
0x59: {  	v3 =	vld [tilespmem:s24+$0xFFFFFFE0];
	[tilespmem:s22+$0x10] =	vst v0;
	v0 =	vadd.f32 v5, v4  }
0x5a: {  	v4 =	vld [tilespmem:s29+$0xFFFFFFE0]  }
0x5b: {  	v5 =	vld [tilespmem:s24+$0xFFFFFFF0];
	[tilespmem:s22+$0x20] =	vst v0  }
0x5c: {  	v0 =	vld.idx.msk [tilespmem:v8+s3+$0x0], $0xffff  }
0x5d: {  	v7 =	vld.idx.msk [tilespmem:v7+s21+$0x0], $0xffff  }
0x5e: {  	v8 =	vld [tilespmem:s29+$0xFFFFFFF0]  }
0x5f: {  	v9 =	vld [tilespmem:s24+$0x0]  }
0x60: {  	v10 =	vld [tilespmem:s29+$0x0]  }
0x61: {  	v11 =	vld [tilespmem:s24+$0x10]  }
0x62: {  	v12 =	vld [tilespmem:s29+$0x10]  }
0x63: {  	v0 =	vadd.f32 v7, v0;
	v13 =	vld [tilespmem:s24+$0x20]  }
0x64: {  	s22 =	sadd.s32 $0x80, s22;
	v14 =	vld [tilespmem:s29+$0x20]  }
0x65: {  	v7 =	vld [tilespmem:s24+$0xFFFFFFC0];
	[tilespmem:s22+$0x30] =	vst v0  }
0x66: {  	v15 =	vld.idx.msk [tilespmem:v2+s21+$0x0], $0xffff  }
0x67: {  	v0 =	vld.idx.msk [tilespmem:v6+s3+$0x0], $0xffff  }
0x68: {  	v1 =	vld.idx.msk [tilespmem:v1+s21+$0x0], $0xffff  }
0x69: {  	v3 =	vld.idx.msk [tilespmem:v3+s3+$0x0], $0xffff  }
0x6a: {  	v4 =	vld.idx.msk [tilespmem:v4+s21+$0x0], $0xffff  }
0x6b: {  	v5 =	vld.idx.msk [tilespmem:v5+s3+$0x0], $0xffff  }
0x6c: {  	v6 =	vld.idx.msk [tilespmem:v8+s21+$0x0], $0xffff  }
0x6d: {  	v8 =	vld.idx.msk [tilespmem:v7+s3+$0x0], $0xffff  }
0x6e: {  	v1 =	vadd.f32 v1, v0;
	v0 =	vld.idx.msk [tilespmem:v9+s3+$0x0], $0xffff  }
.Ltmp0:
0x6f: {  	v2 =	vld.idx.msk [tilespmem:v10+s21+$0x0], $0xffff;
	(pc) =	sbr.rel @p0 .LBB2_2-.Ltmp0, $4  }
0x70: {  	v4 =	vadd.f32 v4, v3;
	[tilespmem:s22+$0xFFFFFFD0] =	vst v1;
	v1 =	vld.idx.msk [tilespmem:v11+s3+$0x0], $0xffff  }
0x71: {  	v3 =	vld.idx.msk [tilespmem:v12+s21+$0x0], $0xffff  }
0x72: {  	v7 =	vadd.f32 v6, v5;
	[tilespmem:s22+$0xFFFFFFE0] =	vst v4;
	v4 =	vld.idx.msk [tilespmem:v13+s3+$0x0], $0xffff  }
0x73: {  	s24 =	sadd.s32 $0x80, s24;
	v6 =	vadd.f32 v15, v8;
	v5 =	vld.idx.msk [tilespmem:v14+s21+$0x0], $0xffff  }
0x74: {  	_ =	sdelay $0x1  }
0x75: {  	[tilespmem:s22+$0xFFFFFFF0] =	vst v7;
	v0 =	vadd.f32 v2, v0  }
0x76: {  	[tilespmem:s22+$0xFFFFFFC0] =	vst v6;
	v1 =	vadd.f32 v3, v1  }
0x77: {  	[tilespmem:s22+$0x0] =	vst v0;
	v63 =	vadd.f32 v5, v4  }
0x78: {  	[tilespmem:s22+$0x10] =	vst v1  }
0x79: {  	[tilespmem:s22+$0x20] =	vst v63  }
.LBB2_4:
0x7a: {  	v0 =	vld [tilespmem:s30+$0x0]  }
0x7b: {  	v1 =	vld [tilespmem:s1+$0x0];
	_ =	sdelay $0x6  }
0x7c: {  	v0 =	vld.idx.msk [tilespmem:v0+s3+$0x0], $0xffff  }
0x7d: {  	v1 =	vld.idx.msk [tilespmem:v1+s21+$0x0], $0xffff  }
0x7e: {  	s31 =	sadd.s32 $0x10, s31  }
0x7f: {  	p0 =	slt.u32 s31, $0x7C0  }
.Ltmp1:
0x80: {  	_ = 	snop;
	(pc) =	sbr.rel @p0 .LBB2_4-.Ltmp1, $3  }
0x81: {  	_ = 	snop  }
0x82: {  	v0 =	vadd.f32 v1, v0;
	_ =	sdelay $0x1  }
0x83: {  	s1 =	sadd.s32 $0x10, s1;
	s30 =	sadd.s32 $0x10, s30;
	[tilespmem:s0+$0x0] =	vst v0;
	s0 =	sadd.s32 $0x10, s0  }
0x84: {  	s0 =	simm.s32 $0x9F00  }
0x85: {  	[hbm4b:s15+s3] =	stream.linear.scatter [tilespmem:s0], [sflag:$0x2], $0x7D0, $0x38;
	[tilespmem:$0xC680] =	vst v63  }
0x86: {  	_ =	swait.ge [sflag:s2], $0x7D0  }
0x87: {  	[sflag:s2] =	ssyncset.done $0x0  }
0x88: {  	[sflag:s2] =	ssyncadd.s32 $0xFFFFF830  }
0x89: {  	_ =	swait.ge [sflag:s2], $0x7D0  }
0x8a: {  	[sflag:s2] =	ssyncset.done $0x0  }
0x8b: {  	s24 =	simm.s32 $0x5840;
	[sflag:s2] =	ssyncadd.s32 $0xFFFFF830  }
0x8c: {  	s29 =	simm.s32 $0x7FC0;
	v0 =	vld [tilespmem:s24+$0x0]  }
0x8d: {  	v1 =	vld [tilespmem:s29+$0x0]  }
0x8e: {  	v2 =	vld [tilespmem:s29+$0xFFFFFF90]  }
0x8f: {  	v3 =	vld [tilespmem:s24+$0xFFFFFFA0]  }
0x90: {  	v4 =	vld [tilespmem:s29+$0xFFFFFFA0]  }
0x91: {  	v5 =	vld [tilespmem:s24+$0xFFFFFFB0]  }
0x92: {  	v6 =	vld [tilespmem:s29+$0xFFFFFFB0]  }
0x93: {  	v7 =	vld [tilespmem:s24+$0xFFFFFFC0]  }
0x94: {  	v9 =	vld [tilespmem:s24+$0xFFFFFFD0]  }
0x95: {  	v10 =	vld [tilespmem:s29+$0xFFFFFFD0]  }
0x96: {  	v11 =	vld [tilespmem:s24+$0xFFFFFFE0]  }
0x97: {  	v12 =	vld [tilespmem:s29+$0xFFFFFFE0]  }
0x98: {  	v13 =	vld [tilespmem:s24+$0xFFFFFFF0]  }
0x99: {  	v14 =	vld [tilespmem:s29+$0xFFFFFFF0]  }
0x9a: {  	v15 =	vld [tilespmem:s24+$0xFFFFFF90]  }
0x9b: {  	v8 =	vld.idx.msk [tilespmem:v0+s3+$0x0], $0xffff  }
0x9c: {  	v1 =	vld.idx.msk [tilespmem:v1+s21+$0x0], $0xffff  }
0x9d: {  	v0 =	vld [tilespmem:s29+$0xFFFFFFC0]  }
0x9e: {  	v16 =	vld.idx.msk [tilespmem:v2+s21+$0x0], $0xffff  }
0x9f: {  	v3 =	vld.idx.msk [tilespmem:v3+s3+$0x0], $0xffff  }
0xa0: {  	v4 =	vld.idx.msk [tilespmem:v4+s21+$0x0], $0xffff  }
0xa1: {  	v5 =	vld.idx.msk [tilespmem:v5+s3+$0x0], $0xffff  }
0xa2: {  	v6 =	vld.idx.msk [tilespmem:v6+s21+$0x0], $0xffff  }
0xa3: {  	v7 =	vld.idx.msk [tilespmem:v7+s3+$0x0], $0xffff  }
0xa4: {  	v15 =	vld.idx.msk [tilespmem:v15+s3+$0x0], $0xffff  }
0xa5: {  	v17 =	vld.idx.msk [tilespmem:v0+s21+$0x0], $0xffff  }
0xa6: {  	v2 =	vld.idx.msk [tilespmem:v10+s21+$0x0], $0xffff  }
0xa7: {  	v8 =	vadd.f32 v1, v8;
	v1 =	vld.idx.msk [tilespmem:v11+s3+$0x0], $0xffff  }
0xa8: {  	s22 =	simm.s32 $0xA740;
	v4 =	vadd.f32 v4, v3;
	v0 =	vld.idx.msk [tilespmem:v9+s3+$0x0], $0xffff  }
0xa9: {  	v5 =	vadd.f32 v6, v5;
	v3 =	vld.idx.msk [tilespmem:v12+s21+$0x0], $0xffff;
	[tilespmem:s22+$0x0] =	vst v8  }
0xaa: {  	s23 =	simm.s32 $0x7D0;
	s30 =	simm.s32 $0x5F50;
	s31 =	simm.s32 $0xF40;
	[tilespmem:s22+$0xFFFFFFA0] =	vst v4;
	v4 =	vld.idx.msk [tilespmem:v13+s3+$0x0], $0xffff;
	v7 =	vadd.f32 v17, v7  }
0xab: {  	s1 =	simm.s32 $0x86D0;
	s0 =	simm.s32 $0xAE50;
	s24 =	simm.s32 $0x58C0;
	v6 =	vadd.f32 v16, v15;
	[tilespmem:s22+$0xFFFFFFB0] =	vst v5;
	v5 =	vld.idx.msk [tilespmem:v14+s21+$0x0], $0xffff  }
.LBB2_6:
0xac: {  	v8 =	vld [tilespmem:s24+$0x0];
	[tilespmem:s22+$0xFFFFFFC0] =	vst v7;
	s29 =	sadd.s32 $0x80, s29  }
0xad: {  	s23 =	sadd.s32 $0x80, s23;
	v0 =	vadd.f32 v2, v0;
	v7 =	vld [tilespmem:s29+$0x0];
	[tilespmem:s22+$0xFFFFFF90] =	vst v6  }
0xae: {  	p0 =	slt.u32 s23, $0xED0;
	v2 =	vld [tilespmem:s29+$0xFFFFFF90]  }
0xaf: {  	v6 =	vld [tilespmem:s24+$0xFFFFFFA0];
	[tilespmem:s22+$0xFFFFFFD0] =	vst v0;
	v0 =	vadd.f32 v3, v1  }
0xb0: {  	v1 =	vld [tilespmem:s29+$0xFFFFFFA0]  }
0xb1: {  	v3 =	vld [tilespmem:s24+$0xFFFFFFB0];
	[tilespmem:s22+$0xFFFFFFE0] =	vst v0;
	v0 =	vadd.f32 v5, v4  }
0xb2: {  	v4 =	vld [tilespmem:s29+$0xFFFFFFB0]  }
0xb3: {  	v5 =	vld [tilespmem:s24+$0xFFFFFFC0];
	[tilespmem:s22+$0xFFFFFFF0] =	vst v0  }
0xb4: {  	v0 =	vld.idx.msk [tilespmem:v8+s3+$0x0], $0xffff  }
0xb5: {  	v7 =	vld.idx.msk [tilespmem:v7+s21+$0x0], $0xffff  }
0xb6: {  	v8 =	vld [tilespmem:s29+$0xFFFFFFC0]  }
0xb7: {  	v9 =	vld [tilespmem:s24+$0xFFFFFFD0]  }
0xb8: {  	v10 =	vld [tilespmem:s29+$0xFFFFFFD0]  }
0xb9: {  	v11 =	vld [tilespmem:s24+$0xFFFFFFE0]  }
0xba: {  	v12 =	vld [tilespmem:s29+$0xFFFFFFE0]  }
0xbb: {  	v0 =	vadd.f32 v7, v0;
	v13 =	vld [tilespmem:s24+$0xFFFFFFF0]  }
0xbc: {  	s22 =	sadd.s32 $0x80, s22;
	v14 =	vld [tilespmem:s29+$0xFFFFFFF0]  }
0xbd: {  	v7 =	vld [tilespmem:s24+$0xFFFFFF90];
	[tilespmem:s22+$0x0] =	vst v0  }
0xbe: {  	v15 =	vld.idx.msk [tilespmem:v2+s21+$0x0], $0xffff  }
0xbf: {  	v0 =	vld.idx.msk [tilespmem:v6+s3+$0x0], $0xffff  }
0xc0: {  	v1 =	vld.idx.msk [tilespmem:v1+s21+$0x0], $0xffff  }
0xc1: {  	v3 =	vld.idx.msk [tilespmem:v3+s3+$0x0], $0xffff  }
0xc2: {  	v4 =	vld.idx.msk [tilespmem:v4+s21+$0x0], $0xffff  }
0xc3: {  	v5 =	vld.idx.msk [tilespmem:v5+s3+$0x0], $0xffff  }
0xc4: {  	v6 =	vld.idx.msk [tilespmem:v8+s21+$0x0], $0xffff  }
0xc5: {  	v8 =	vld.idx.msk [tilespmem:v7+s3+$0x0], $0xffff  }
0xc6: {  	v1 =	vadd.f32 v1, v0;
	v0 =	vld.idx.msk [tilespmem:v9+s3+$0x0], $0xffff  }
.Ltmp2:
0xc7: {  	v2 =	vld.idx.msk [tilespmem:v10+s21+$0x0], $0xffff;
	(pc) =	sbr.rel @p0 .LBB2_6-.Ltmp2, $4  }
0xc8: {  	v4 =	vadd.f32 v4, v3;
	[tilespmem:s22+$0xFFFFFFA0] =	vst v1;
	v1 =	vld.idx.msk [tilespmem:v11+s3+$0x0], $0xffff  }
0xc9: {  	v3 =	vld.idx.msk [tilespmem:v12+s21+$0x0], $0xffff  }
0xca: {  	v7 =	vadd.f32 v6, v5;
	[tilespmem:s22+$0xFFFFFFB0] =	vst v4;
	v4 =	vld.idx.msk [tilespmem:v13+s3+$0x0], $0xffff  }
0xcb: {  	s24 =	sadd.s32 $0x80, s24;
	v6 =	vadd.f32 v15, v8;
	v5 =	vld.idx.msk [tilespmem:v14+s21+$0x0], $0xffff  }
0xcc: {  	_ =	sdelay $0x1  }
0xcd: {  	[tilespmem:s22+$0xFFFFFFC0] =	vst v7;
	v0 =	vadd.f32 v2, v0  }
0xce: {  	[tilespmem:s22+$0xFFFFFF90] =	vst v6;
	v1 =	vadd.f32 v3, v1  }
0xcf: {  	[tilespmem:s22+$0xFFFFFFD0] =	vst v0;
	v63 =	vadd.f32 v5, v4  }
0xd0: {  	[tilespmem:s22+$0xFFFFFFE0] =	vst v1  }
0xd1: {  	[tilespmem:s22+$0xFFFFFFF0] =	vst v63  }
.LBB2_8:
0xd2: {  	v0 =	vld [tilespmem:s30+$0x0]  }
0xd3: {  	v1 =	vld [tilespmem:s1+$0x0];
	_ =	sdelay $0x6  }
0xd4: {  	v0 =	vld.idx.msk [tilespmem:v0+s3+$0x0], $0xffff  }
0xd5: {  	v1 =	vld.idx.msk [tilespmem:v1+s21+$0x0], $0xffff  }
0xd6: {  	s31 =	sadd.s32 $0x10, s31  }
0xd7: {  	p0 =	slt.u32 s31, $0xF90  }
.Ltmp3:
0xd8: {  	_ = 	snop;
	(pc) =	sbr.rel @p0 .LBB2_8-.Ltmp3, $3  }
0xd9: {  	_ = 	snop  }
0xda: {  	v0 =	vadd.f32 v1, v0;
	_ =	sdelay $0x1  }
0xdb: {  	s1 =	sadd.s32 $0x10, s1;
	s30 =	sadd.s32 $0x10, s30;
	[tilespmem:s0+$0x0] =	vst v0;
	s0 =	sadd.s32 $0x10, s0  }
0xdc: {  	s0 =	simm.s32 $0xA6D0  }
0xdd: {  	[hbm4b:s16+s3] =	stream.linear.scatter [tilespmem:s0], [sflag:$0x2], $0x7D0, $0x38;
	[tilespmem:$0xC680] =	vst v63  }
0xde: {  	_ =	swait.ge [sflag:s2], $0x7D0  }
0xdf: {  	[sflag:s2] =	ssyncset.done $0x0  }
0xe0: {  	[sflag:s2] =	ssyncadd.s32 $0xFFFFF830  }
0xe1: {  	_ =	swait.ge [sflag:s2], $0x7D0  }
0xe2: {  	[sflag:s2] =	ssyncset.done $0x0  }
0xe3: {  	s24 =	simm.s32 $0x6010;
	[sflag:s2] =	ssyncadd.s32 $0xFFFFF830  }
0xe4: {  	s29 =	simm.s32 $0x8790;
	v0 =	vld [tilespmem:s24+$0x0]  }
0xe5: {  	v1 =	vld [tilespmem:s29+$0x0]  }
0xe6: {  	v2 =	vld [tilespmem:s29+$0xFFFFFF90]  }
0xe7: {  	v3 =	vld [tilespmem:s24+$0xFFFFFFA0]  }
0xe8: {  	v4 =	vld [tilespmem:s29+$0xFFFFFFA0]  }
0xe9: {  	v5 =	vld [tilespmem:s24+$0xFFFFFFB0]  }
0xea: {  	v6 =	vld [tilespmem:s29+$0xFFFFFFB0]  }
0xeb: {  	v7 =	vld [tilespmem:s24+$0xFFFFFFC0]  }
0xec: {  	v9 =	vld [tilespmem:s24+$0xFFFFFFD0]  }
0xed: {  	v10 =	vld [tilespmem:s29+$0xFFFFFFD0]  }
0xee: {  	v11 =	vld [tilespmem:s24+$0xFFFFFFE0]  }
0xef: {  	v12 =	vld [tilespmem:s29+$0xFFFFFFE0]  }
0xf0: {  	v13 =	vld [tilespmem:s24+$0xFFFFFFF0]  }
0xf1: {  	v14 =	vld [tilespmem:s29+$0xFFFFFFF0]  }
0xf2: {  	v15 =	vld [tilespmem:s24+$0xFFFFFF90]  }
0xf3: {  	v8 =	vld.idx.msk [tilespmem:v0+s3+$0x0], $0xffff  }
0xf4: {  	v1 =	vld.idx.msk [tilespmem:v1+s21+$0x0], $0xffff  }
0xf5: {  	v0 =	vld [tilespmem:s29+$0xFFFFFFC0]  }
0xf6: {  	v16 =	vld.idx.msk [tilespmem:v2+s21+$0x0], $0xffff  }
0xf7: {  	v3 =	vld.idx.msk [tilespmem:v3+s3+$0x0], $0xffff  }
0xf8: {  	v4 =	vld.idx.msk [tilespmem:v4+s21+$0x0], $0xffff  }
0xf9: {  	v5 =	vld.idx.msk [tilespmem:v5+s3+$0x0], $0xffff  }
0xfa: {  	v6 =	vld.idx.msk [tilespmem:v6+s21+$0x0], $0xffff  }
0xfb: {  	v7 =	vld.idx.msk [tilespmem:v7+s3+$0x0], $0xffff  }
0xfc: {  	v15 =	vld.idx.msk [tilespmem:v15+s3+$0x0], $0xffff  }
0xfd: {  	v17 =	vld.idx.msk [tilespmem:v0+s21+$0x0], $0xffff  }
0xfe: {  	v2 =	vld.idx.msk [tilespmem:v10+s21+$0x0], $0xffff  }
0xff: {  	v8 =	vadd.f32 v1, v8;
	v1 =	vld.idx.msk [tilespmem:v11+s3+$0x0], $0xffff  }
0x100: {  	s22 =	simm.s32 $0xAF10;
	v4 =	vadd.f32 v4, v3;
	v0 =	vld.idx.msk [tilespmem:v9+s3+$0x0], $0xffff  }
0x101: {  	v5 =	vadd.f32 v6, v5;
	v3 =	vld.idx.msk [tilespmem:v12+s21+$0x0], $0xffff;
	[tilespmem:s22+$0x0] =	vst v8  }
0x102: {  	s23 =	simm.s32 $0xFA0;
	s30 =	simm.s32 $0x6720;
	s31 =	simm.s32 $0x1710;
	[tilespmem:s22+$0xFFFFFFA0] =	vst v4;
	v4 =	vld.idx.msk [tilespmem:v13+s3+$0x0], $0xffff;
	v7 =	vadd.f32 v17, v7  }
0x103: {  	s1 =	simm.s32 $0x8EA0;
	s0 =	simm.s32 $0xB620;
	s24 =	simm.s32 $0x6090;
	v6 =	vadd.f32 v16, v15;
	[tilespmem:s22+$0xFFFFFFB0] =	vst v5;
	v5 =	vld.idx.msk [tilespmem:v14+s21+$0x0], $0xffff  }
.LBB2_10:
0x104: {  	v8 =	vld [tilespmem:s24+$0x0];
	[tilespmem:s22+$0xFFFFFFC0] =	vst v7;
	s29 =	sadd.s32 $0x80, s29  }
0x105: {  	s23 =	sadd.s32 $0x80, s23;
	v0 =	vadd.f32 v2, v0;
	v7 =	vld [tilespmem:s29+$0x0];
	[tilespmem:s22+$0xFFFFFF90] =	vst v6  }
0x106: {  	p0 =	slt.u32 s23, $0x16A0;
	v2 =	vld [tilespmem:s29+$0xFFFFFF90]  }
0x107: {  	v6 =	vld [tilespmem:s24+$0xFFFFFFA0];
	[tilespmem:s22+$0xFFFFFFD0] =	vst v0;
	v0 =	vadd.f32 v3, v1  }
0x108: {  	v1 =	vld [tilespmem:s29+$0xFFFFFFA0]  }
0x109: {  	v3 =	vld [tilespmem:s24+$0xFFFFFFB0];
	[tilespmem:s22+$0xFFFFFFE0] =	vst v0;
	v0 =	vadd.f32 v5, v4  }
0x10a: {  	v4 =	vld [tilespmem:s29+$0xFFFFFFB0]  }
0x10b: {  	v5 =	vld [tilespmem:s24+$0xFFFFFFC0];
	[tilespmem:s22+$0xFFFFFFF0] =	vst v0  }
0x10c: {  	v0 =	vld.idx.msk [tilespmem:v8+s3+$0x0], $0xffff  }
0x10d: {  	v7 =	vld.idx.msk [tilespmem:v7+s21+$0x0], $0xffff  }
0x10e: {  	v8 =	vld [tilespmem:s29+$0xFFFFFFC0]  }
0x10f: {  	v9 =	vld [tilespmem:s24+$0xFFFFFFD0]  }
0x110: {  	v10 =	vld [tilespmem:s29+$0xFFFFFFD0]  }
0x111: {  	v11 =	vld [tilespmem:s24+$0xFFFFFFE0]  }
0x112: {  	v12 =	vld [tilespmem:s29+$0xFFFFFFE0]  }
0x113: {  	v0 =	vadd.f32 v7, v0;
	v13 =	vld [tilespmem:s24+$0xFFFFFFF0]  }
0x114: {  	s22 =	sadd.s32 $0x80, s22;
	v14 =	vld [tilespmem:s29+$0xFFFFFFF0]  }
0x115: {  	v7 =	vld [tilespmem:s24+$0xFFFFFF90];
	[tilespmem:s22+$0x0] =	vst v0  }
0x116: {  	v15 =	vld.idx.msk [tilespmem:v2+s21+$0x0], $0xffff  }
0x117: {  	v0 =	vld.idx.msk [tilespmem:v6+s3+$0x0], $0xffff  }
0x118: {  	v1 =	vld.idx.msk [tilespmem:v1+s21+$0x0], $0xffff  }
0x119: {  	v3 =	vld.idx.msk [tilespmem:v3+s3+$0x0], $0xffff  }
0x11a: {  	v4 =	vld.idx.msk [tilespmem:v4+s21+$0x0], $0xffff  }
0x11b: {  	v5 =	vld.idx.msk [tilespmem:v5+s3+$0x0], $0xffff  }
0x11c: {  	v6 =	vld.idx.msk [tilespmem:v8+s21+$0x0], $0xffff  }
0x11d: {  	v8 =	vld.idx.msk [tilespmem:v7+s3+$0x0], $0xffff  }
0x11e: {  	v1 =	vadd.f32 v1, v0;
	v0 =	vld.idx.msk [tilespmem:v9+s3+$0x0], $0xffff  }
.Ltmp4:
0x11f: {  	v2 =	vld.idx.msk [tilespmem:v10+s21+$0x0], $0xffff;
	(pc) =	sbr.rel @p0 .LBB2_10-.Ltmp4, $4  }
0x120: {  	v4 =	vadd.f32 v4, v3;
	[tilespmem:s22+$0xFFFFFFA0] =	vst v1;
	v1 =	vld.idx.msk [tilespmem:v11+s3+$0x0], $0xffff  }
0x121: {  	v3 =	vld.idx.msk [tilespmem:v12+s21+$0x0], $0xffff  }
0x122: {  	v7 =	vadd.f32 v6, v5;
	[tilespmem:s22+$0xFFFFFFB0] =	vst v4;
	v4 =	vld.idx.msk [tilespmem:v13+s3+$0x0], $0xffff  }
0x123: {  	s24 =	sadd.s32 $0x80, s24;
	v6 =	vadd.f32 v15, v8;
	v5 =	vld.idx.msk [tilespmem:v14+s21+$0x0], $0xffff  }
0x124: {  	_ =	sdelay $0x1  }
0x125: {  	[tilespmem:s22+$0xFFFFFFC0] =	vst v7;
	v0 =	vadd.f32 v2, v0  }
0x126: {  	[tilespmem:s22+$0xFFFFFF90] =	vst v6;
	v1 =	vadd.f32 v3, v1  }
0x127: {  	[tilespmem:s22+$0xFFFFFFD0] =	vst v0;
	v63 =	vadd.f32 v5, v4  }
0x128: {  	[tilespmem:s22+$0xFFFFFFE0] =	vst v1  }
0x129: {  	[tilespmem:s22+$0xFFFFFFF0] =	vst v63  }
.LBB2_12:
0x12a: {  	v0 =	vld [tilespmem:s30+$0x0]  }
0x12b: {  	v1 =	vld [tilespmem:s1+$0x0];
	_ =	sdelay $0x6  }
0x12c: {  	v0 =	vld.idx.msk [tilespmem:v0+s3+$0x0], $0xffff  }
0x12d: {  	v1 =	vld.idx.msk [tilespmem:v1+s21+$0x0], $0xffff  }
0x12e: {  	s31 =	sadd.s32 $0x10, s31  }
0x12f: {  	p0 =	slt.u32 s31, $0x1760  }
.Ltmp5:
0x130: {  	_ = 	snop;
	(pc) =	sbr.rel @p0 .LBB2_12-.Ltmp5, $3  }
0x131: {  	_ = 	snop  }
0x132: {  	v0 =	vadd.f32 v1, v0;
	_ =	sdelay $0x1  }
0x133: {  	s1 =	sadd.s32 $0x10, s1;
	s30 =	sadd.s32 $0x10, s30;
	[tilespmem:s0+$0x0] =	vst v0;
	s0 =	sadd.s32 $0x10, s0  }
0x134: {  	s0 =	simm.s32 $0xAEA0  }
0x135: {  	[hbm4b:s17+s3] =	stream.linear.scatter [tilespmem:s0], [sflag:$0x2], $0x7D0, $0x38;
	[tilespmem:$0xC680] =	vst v63  }
0x136: {  	_ =	swait.ge [sflag:s2], $0x7D0  }
0x137: {  	[sflag:s2] =	ssyncset.done $0x0  }
0x138: {  	[sflag:s2] =	ssyncadd.s32 $0xFFFFF830  }
0x139: {  	_ =	swait.ge [sflag:s2], $0x7D0  }
0x13a: {  	[sflag:s2] =	ssyncset.done $0x0  }
0x13b: {  	s24 =	simm.s32 $0x67E0;
	[sflag:s2] =	ssyncadd.s32 $0xFFFFF830  }
0x13c: {  	s29 =	simm.s32 $0x8F60;
	v0 =	vld [tilespmem:s24+$0x0]  }
0x13d: {  	v1 =	vld [tilespmem:s29+$0x0]  }
0x13e: {  	v2 =	vld [tilespmem:s29+$0xFFFFFF90]  }
0x13f: {  	v3 =	vld [tilespmem:s24+$0xFFFFFFA0]  }
0x140: {  	v4 =	vld [tilespmem:s29+$0xFFFFFFA0]  }
0x141: {  	v5 =	vld [tilespmem:s24+$0xFFFFFFB0]  }
0x142: {  	v6 =	vld [tilespmem:s29+$0xFFFFFFB0]  }
0x143: {  	v7 =	vld [tilespmem:s24+$0xFFFFFFC0]  }
0x144: {  	v9 =	vld [tilespmem:s24+$0xFFFFFFD0]  }
0x145: {  	v10 =	vld [tilespmem:s29+$0xFFFFFFD0]  }
0x146: {  	v11 =	vld [tilespmem:s24+$0xFFFFFFE0]  }
0x147: {  	v12 =	vld [tilespmem:s29+$0xFFFFFFE0]  }
0x148: {  	v13 =	vld [tilespmem:s24+$0xFFFFFFF0]  }
0x149: {  	v14 =	vld [tilespmem:s29+$0xFFFFFFF0]  }
0x14a: {  	v15 =	vld [tilespmem:s24+$0xFFFFFF90]  }
0x14b: {  	v8 =	vld.idx.msk [tilespmem:v0+s3+$0x0], $0xffff  }
0x14c: {  	v1 =	vld.idx.msk [tilespmem:v1+s21+$0x0], $0xffff  }
0x14d: {  	v0 =	vld [tilespmem:s29+$0xFFFFFFC0]  }
0x14e: {  	v16 =	vld.idx.msk [tilespmem:v2+s21+$0x0], $0xffff  }
0x14f: {  	v3 =	vld.idx.msk [tilespmem:v3+s3+$0x0], $0xffff  }
0x150: {  	v4 =	vld.idx.msk [tilespmem:v4+s21+$0x0], $0xffff  }
0x151: {  	v5 =	vld.idx.msk [tilespmem:v5+s3+$0x0], $0xffff  }
0x152: {  	v6 =	vld.idx.msk [tilespmem:v6+s21+$0x0], $0xffff  }
0x153: {  	v7 =	vld.idx.msk [tilespmem:v7+s3+$0x0], $0xffff  }
0x154: {  	v15 =	vld.idx.msk [tilespmem:v15+s3+$0x0], $0xffff  }
0x155: {  	v17 =	vld.idx.msk [tilespmem:v0+s21+$0x0], $0xffff  }
0x156: {  	v2 =	vld.idx.msk [tilespmem:v10+s21+$0x0], $0xffff  }
0x157: {  	v8 =	vadd.f32 v1, v8;
	v1 =	vld.idx.msk [tilespmem:v11+s3+$0x0], $0xffff  }
0x158: {  	s22 =	simm.s32 $0xB6E0;
	v4 =	vadd.f32 v4, v3;
	v0 =	vld.idx.msk [tilespmem:v9+s3+$0x0], $0xffff  }
0x159: {  	v5 =	vadd.f32 v6, v5;
	v3 =	vld.idx.msk [tilespmem:v12+s21+$0x0], $0xffff;
	[tilespmem:s22+$0x0] =	vst v8  }
0x15a: {  	s23 =	simm.s32 $0x1770;
	s30 =	simm.s32 $0x6EF0;
	s31 =	simm.s32 $0x1EE0;
	[tilespmem:s22+$0xFFFFFFA0] =	vst v4;
	v4 =	vld.idx.msk [tilespmem:v13+s3+$0x0], $0xffff;
	v7 =	vadd.f32 v17, v7  }
0x15b: {  	s1 =	simm.s32 $0x9670;
	s0 =	simm.s32 $0xBDF0;
	s24 =	simm.s32 $0x6860;
	v6 =	vadd.f32 v16, v15;
	[tilespmem:s22+$0xFFFFFFB0] =	vst v5;
	v5 =	vld.idx.msk [tilespmem:v14+s21+$0x0], $0xffff  }
.LBB2_14:
0x15c: {  	v8 =	vld [tilespmem:s24+$0x0];
	[tilespmem:s22+$0xFFFFFFC0] =	vst v7;
	s29 =	sadd.s32 $0x80, s29  }
0x15d: {  	s23 =	sadd.s32 $0x80, s23;
	v0 =	vadd.f32 v2, v0;
	v7 =	vld [tilespmem:s29+$0x0];
	[tilespmem:s22+$0xFFFFFF90] =	vst v6  }
0x15e: {  	p0 =	slt.u32 s23, $0x1E70;
	v2 =	vld [tilespmem:s29+$0xFFFFFF90]  }
0x15f: {  	v6 =	vld [tilespmem:s24+$0xFFFFFFA0];
	[tilespmem:s22+$0xFFFFFFD0] =	vst v0;
	v0 =	vadd.f32 v3, v1  }
0x160: {  	v1 =	vld [tilespmem:s29+$0xFFFFFFA0]  }
0x161: {  	v3 =	vld [tilespmem:s24+$0xFFFFFFB0];
	[tilespmem:s22+$0xFFFFFFE0] =	vst v0;
	v0 =	vadd.f32 v5, v4  }
0x162: {  	v4 =	vld [tilespmem:s29+$0xFFFFFFB0]  }
0x163: {  	v5 =	vld [tilespmem:s24+$0xFFFFFFC0];
	[tilespmem:s22+$0xFFFFFFF0] =	vst v0  }
0x164: {  	v0 =	vld.idx.msk [tilespmem:v8+s3+$0x0], $0xffff  }
0x165: {  	v7 =	vld.idx.msk [tilespmem:v7+s21+$0x0], $0xffff  }
0x166: {  	v8 =	vld [tilespmem:s29+$0xFFFFFFC0]  }
0x167: {  	v9 =	vld [tilespmem:s24+$0xFFFFFFD0]  }
0x168: {  	v10 =	vld [tilespmem:s29+$0xFFFFFFD0]  }
0x169: {  	v11 =	vld [tilespmem:s24+$0xFFFFFFE0]  }
0x16a: {  	v12 =	vld [tilespmem:s29+$0xFFFFFFE0]  }
0x16b: {  	v0 =	vadd.f32 v7, v0;
	v13 =	vld [tilespmem:s24+$0xFFFFFFF0]  }
0x16c: {  	s22 =	sadd.s32 $0x80, s22;
	v14 =	vld [tilespmem:s29+$0xFFFFFFF0]  }
0x16d: {  	v7 =	vld [tilespmem:s24+$0xFFFFFF90];
	[tilespmem:s22+$0x0] =	vst v0  }
0x16e: {  	v15 =	vld.idx.msk [tilespmem:v2+s21+$0x0], $0xffff  }
0x16f: {  	v0 =	vld.idx.msk [tilespmem:v6+s3+$0x0], $0xffff  }
0x170: {  	v1 =	vld.idx.msk [tilespmem:v1+s21+$0x0], $0xffff  }
0x171: {  	v3 =	vld.idx.msk [tilespmem:v3+s3+$0x0], $0xffff  }
0x172: {  	v4 =	vld.idx.msk [tilespmem:v4+s21+$0x0], $0xffff  }
0x173: {  	v5 =	vld.idx.msk [tilespmem:v5+s3+$0x0], $0xffff  }
0x174: {  	v6 =	vld.idx.msk [tilespmem:v8+s21+$0x0], $0xffff  }
0x175: {  	v8 =	vld.idx.msk [tilespmem:v7+s3+$0x0], $0xffff  }
0x176: {  	v1 =	vadd.f32 v1, v0;
	v0 =	vld.idx.msk [tilespmem:v9+s3+$0x0], $0xffff  }
.Ltmp6:
0x177: {  	v2 =	vld.idx.msk [tilespmem:v10+s21+$0x0], $0xffff;
	(pc) =	sbr.rel @p0 .LBB2_14-.Ltmp6, $4  }
0x178: {  	v4 =	vadd.f32 v4, v3;
	[tilespmem:s22+$0xFFFFFFA0] =	vst v1;
	v1 =	vld.idx.msk [tilespmem:v11+s3+$0x0], $0xffff  }
0x179: {  	v3 =	vld.idx.msk [tilespmem:v12+s21+$0x0], $0xffff  }
0x17a: {  	v7 =	vadd.f32 v6, v5;
	[tilespmem:s22+$0xFFFFFFB0] =	vst v4;
	v4 =	vld.idx.msk [tilespmem:v13+s3+$0x0], $0xffff  }
0x17b: {  	s24 =	sadd.s32 $0x80, s24;
	v6 =	vadd.f32 v15, v8;
	v5 =	vld.idx.msk [tilespmem:v14+s21+$0x0], $0xffff  }
0x17c: {  	_ =	sdelay $0x1  }
0x17d: {  	[tilespmem:s22+$0xFFFFFFC0] =	vst v7;
	v0 =	vadd.f32 v2, v0  }
0x17e: {  	[tilespmem:s22+$0xFFFFFF90] =	vst v6;
	v1 =	vadd.f32 v3, v1  }
0x17f: {  	[tilespmem:s22+$0xFFFFFFD0] =	vst v0;
	v63 =	vadd.f32 v5, v4  }
0x180: {  	[tilespmem:s22+$0xFFFFFFE0] =	vst v1  }
0x181: {  	[tilespmem:s22+$0xFFFFFFF0] =	vst v63  }
.LBB2_16:
0x182: {  	v0 =	vld [tilespmem:s30+$0x0]  }
0x183: {  	v1 =	vld [tilespmem:s1+$0x0];
	_ =	sdelay $0x6  }
0x184: {  	v0 =	vld.idx.msk [tilespmem:v0+s3+$0x0], $0xffff  }
0x185: {  	v1 =	vld.idx.msk [tilespmem:v1+s21+$0x0], $0xffff  }
0x186: {  	s31 =	sadd.s32 $0x10, s31  }
0x187: {  	p0 =	slt.u32 s31, $0x1F30  }
.Ltmp7:
0x188: {  	_ = 	snop;
	(pc) =	sbr.rel @p0 .LBB2_16-.Ltmp7, $3  }
0x189: {  	_ = 	snop  }
0x18a: {  	v0 =	vadd.f32 v1, v0;
	_ =	sdelay $0x1  }
0x18b: {  	s1 =	sadd.s32 $0x10, s1;
	s30 =	sadd.s32 $0x10, s30;
	[tilespmem:s0+$0x0] =	vst v0;
	s0 =	sadd.s32 $0x10, s0  }
0x18c: {  	s0 =	simm.s32 $0xB670  }
0x18d: {  	[hbm4b:s18+s3] =	stream.linear.scatter [tilespmem:s0], [sflag:$0x2], $0x7D0, $0x38;
	[tilespmem:$0xC680] =	vst v63  }
0x18e: {  	_ =	swait.ge [sflag:s2], $0x7D0  }
0x18f: {  	[sflag:s2] =	ssyncset.done $0x0  }
0x190: {  	[sflag:s2] =	ssyncadd.s32 $0xFFFFF830  }
0x191: {  	_ =	swait.ge [sflag:s2], $0x7D0  }
0x192: {  	[sflag:s2] =	ssyncset.done $0x0  }
0x193: {  	s24 =	simm.s32 $0x6FB0;
	[sflag:s2] =	ssyncadd.s32 $0xFFFFF830  }
0x194: {  	s29 =	simm.s32 $0x9730;
	v0 =	vld [tilespmem:s24+$0x0]  }
0x195: {  	v1 =	vld [tilespmem:s29+$0x0]  }
0x196: {  	v2 =	vld [tilespmem:s29+$0xFFFFFF90]  }
0x197: {  	v3 =	vld [tilespmem:s24+$0xFFFFFFA0]  }
0x198: {  	v4 =	vld [tilespmem:s29+$0xFFFFFFA0]  }
0x199: {  	v5 =	vld [tilespmem:s24+$0xFFFFFFB0]  }
0x19a: {  	v6 =	vld [tilespmem:s29+$0xFFFFFFB0]  }
0x19b: {  	v7 =	vld [tilespmem:s24+$0xFFFFFFC0]  }
0x19c: {  	v9 =	vld [tilespmem:s24+$0xFFFFFFD0]  }
0x19d: {  	v10 =	vld [tilespmem:s29+$0xFFFFFFD0]  }
0x19e: {  	v11 =	vld [tilespmem:s24+$0xFFFFFFE0]  }
0x19f: {  	v12 =	vld [tilespmem:s29+$0xFFFFFFE0]  }
0x1a0: {  	v13 =	vld [tilespmem:s24+$0xFFFFFFF0]  }
0x1a1: {  	v14 =	vld [tilespmem:s29+$0xFFFFFFF0]  }
0x1a2: {  	v15 =	vld [tilespmem:s24+$0xFFFFFF90]  }
0x1a3: {  	v8 =	vld.idx.msk [tilespmem:v0+s3+$0x0], $0xffff  }
0x1a4: {  	v1 =	vld.idx.msk [tilespmem:v1+s21+$0x0], $0xffff  }
0x1a5: {  	v0 =	vld [tilespmem:s29+$0xFFFFFFC0]  }
0x1a6: {  	v16 =	vld.idx.msk [tilespmem:v2+s21+$0x0], $0xffff  }
0x1a7: {  	v3 =	vld.idx.msk [tilespmem:v3+s3+$0x0], $0xffff  }
0x1a8: {  	v4 =	vld.idx.msk [tilespmem:v4+s21+$0x0], $0xffff  }
0x1a9: {  	v5 =	vld.idx.msk [tilespmem:v5+s3+$0x0], $0xffff  }
0x1aa: {  	v6 =	vld.idx.msk [tilespmem:v6+s21+$0x0], $0xffff  }
0x1ab: {  	v7 =	vld.idx.msk [tilespmem:v7+s3+$0x0], $0xffff  }
0x1ac: {  	v15 =	vld.idx.msk [tilespmem:v15+s3+$0x0], $0xffff  }
0x1ad: {  	v17 =	vld.idx.msk [tilespmem:v0+s21+$0x0], $0xffff  }
0x1ae: {  	v2 =	vld.idx.msk [tilespmem:v10+s21+$0x0], $0xffff  }
0x1af: {  	v8 =	vadd.f32 v1, v8;
	v1 =	vld.idx.msk [tilespmem:v11+s3+$0x0], $0xffff  }
0x1b0: {  	s22 =	simm.s32 $0xBEB0;
	v4 =	vadd.f32 v4, v3;
	v0 =	vld.idx.msk [tilespmem:v9+s3+$0x0], $0xffff  }
0x1b1: {  	v5 =	vadd.f32 v6, v5;
	v3 =	vld.idx.msk [tilespmem:v12+s21+$0x0], $0xffff;
	[tilespmem:s22+$0x0] =	vst v8  }
0x1b2: {  	s23 =	simm.s32 $0x1F40;
	s30 =	simm.s32 $0x76C0;
	s31 =	simm.s32 $0x26B0;
	[tilespmem:s22+$0xFFFFFFA0] =	vst v4;
	v4 =	vld.idx.msk [tilespmem:v13+s3+$0x0], $0xffff;
	v7 =	vadd.f32 v17, v7  }
0x1b3: {  	s1 =	simm.s32 $0x9E40;
	s0 =	simm.s32 $0xC5C0;
	s24 =	simm.s32 $0x7030;
	v6 =	vadd.f32 v16, v15;
	[tilespmem:s22+$0xFFFFFFB0] =	vst v5;
	v5 =	vld.idx.msk [tilespmem:v14+s21+$0x0], $0xffff  }
.LBB2_18:
0x1b4: {  	v8 =	vld [tilespmem:s24+$0x0];
	[tilespmem:s22+$0xFFFFFFC0] =	vst v7;
	s29 =	sadd.s32 $0x80, s29  }
0x1b5: {  	s23 =	sadd.s32 $0x80, s23;
	v0 =	vadd.f32 v2, v0;
	v7 =	vld [tilespmem:s29+$0x0];
	[tilespmem:s22+$0xFFFFFF90] =	vst v6  }
0x1b6: {  	p0 =	slt.u32 s23, $0x2640;
	v2 =	vld [tilespmem:s29+$0xFFFFFF90]  }
0x1b7: {  	v6 =	vld [tilespmem:s24+$0xFFFFFFA0];
	[tilespmem:s22+$0xFFFFFFD0] =	vst v0;
	v0 =	vadd.f32 v3, v1  }
0x1b8: {  	v1 =	vld [tilespmem:s29+$0xFFFFFFA0]  }
0x1b9: {  	v3 =	vld [tilespmem:s24+$0xFFFFFFB0];
	[tilespmem:s22+$0xFFFFFFE0] =	vst v0;
	v0 =	vadd.f32 v5, v4  }
0x1ba: {  	v4 =	vld [tilespmem:s29+$0xFFFFFFB0]  }
0x1bb: {  	v5 =	vld [tilespmem:s24+$0xFFFFFFC0];
	[tilespmem:s22+$0xFFFFFFF0] =	vst v0  }
0x1bc: {  	v0 =	vld.idx.msk [tilespmem:v8+s3+$0x0], $0xffff  }
0x1bd: {  	v7 =	vld.idx.msk [tilespmem:v7+s21+$0x0], $0xffff  }
0x1be: {  	v8 =	vld [tilespmem:s29+$0xFFFFFFC0]  }
0x1bf: {  	v9 =	vld [tilespmem:s24+$0xFFFFFFD0]  }
0x1c0: {  	v10 =	vld [tilespmem:s29+$0xFFFFFFD0]  }
0x1c1: {  	v11 =	vld [tilespmem:s24+$0xFFFFFFE0]  }
0x1c2: {  	v12 =	vld [tilespmem:s29+$0xFFFFFFE0]  }
0x1c3: {  	v0 =	vadd.f32 v7, v0;
	v13 =	vld [tilespmem:s24+$0xFFFFFFF0]  }
0x1c4: {  	s22 =	sadd.s32 $0x80, s22;
	v14 =	vld [tilespmem:s29+$0xFFFFFFF0]  }
0x1c5: {  	v7 =	vld [tilespmem:s24+$0xFFFFFF90];
	[tilespmem:s22+$0x0] =	vst v0  }
0x1c6: {  	v15 =	vld.idx.msk [tilespmem:v2+s21+$0x0], $0xffff  }
0x1c7: {  	v0 =	vld.idx.msk [tilespmem:v6+s3+$0x0], $0xffff  }
0x1c8: {  	v1 =	vld.idx.msk [tilespmem:v1+s21+$0x0], $0xffff  }
0x1c9: {  	v3 =	vld.idx.msk [tilespmem:v3+s3+$0x0], $0xffff  }
0x1ca: {  	v4 =	vld.idx.msk [tilespmem:v4+s21+$0x0], $0xffff  }
0x1cb: {  	v5 =	vld.idx.msk [tilespmem:v5+s3+$0x0], $0xffff  }
0x1cc: {  	v6 =	vld.idx.msk [tilespmem:v8+s21+$0x0], $0xffff  }
0x1cd: {  	v8 =	vld.idx.msk [tilespmem:v7+s3+$0x0], $0xffff  }
0x1ce: {  	v1 =	vadd.f32 v1, v0;
	v0 =	vld.idx.msk [tilespmem:v9+s3+$0x0], $0xffff  }
.Ltmp8:
0x1cf: {  	v2 =	vld.idx.msk [tilespmem:v10+s21+$0x0], $0xffff;
	(pc) =	sbr.rel @p0 .LBB2_18-.Ltmp8, $4  }
0x1d0: {  	v4 =	vadd.f32 v4, v3;
	[tilespmem:s22+$0xFFFFFFA0] =	vst v1;
	v1 =	vld.idx.msk [tilespmem:v11+s3+$0x0], $0xffff  }
0x1d1: {  	v3 =	vld.idx.msk [tilespmem:v12+s21+$0x0], $0xffff  }
0x1d2: {  	v7 =	vadd.f32 v6, v5;
	[tilespmem:s22+$0xFFFFFFB0] =	vst v4;
	v4 =	vld.idx.msk [tilespmem:v13+s3+$0x0], $0xffff  }
0x1d3: {  	s24 =	sadd.s32 $0x80, s24;
	v6 =	vadd.f32 v15, v8;
	v5 =	vld.idx.msk [tilespmem:v14+s21+$0x0], $0xffff  }
0x1d4: {  	_ =	sdelay $0x1  }
0x1d5: {  	[tilespmem:s22+$0xFFFFFFC0] =	vst v7;
	v0 =	vadd.f32 v2, v0  }
0x1d6: {  	[tilespmem:s22+$0xFFFFFF90] =	vst v6;
	v1 =	vadd.f32 v3, v1  }
0x1d7: {  	[tilespmem:s22+$0xFFFFFFD0] =	vst v0;
	v63 =	vadd.f32 v5, v4  }
0x1d8: {  	[tilespmem:s22+$0xFFFFFFE0] =	vst v1  }
0x1d9: {  	[tilespmem:s22+$0xFFFFFFF0] =	vst v63  }
.LBB2_20:
0x1da: {  	v0 =	vld [tilespmem:s30+$0x0]  }
0x1db: {  	v1 =	vld [tilespmem:s1+$0x0];
	_ =	sdelay $0x6  }
0x1dc: {  	v0 =	vld.idx.msk [tilespmem:v0+s3+$0x0], $0xffff  }
0x1dd: {  	v1 =	vld.idx.msk [tilespmem:v1+s21+$0x0], $0xffff  }
0x1de: {  	s31 =	sadd.s32 $0x10, s31  }
0x1df: {  	p0 =	slt.u32 s31, $0x2700  }
.Ltmp9:
0x1e0: {  	_ = 	snop;
	(pc) =	sbr.rel @p0 .LBB2_20-.Ltmp9, $3  }
0x1e1: {  	_ = 	snop  }
0x1e2: {  	v0 =	vadd.f32 v1, v0;
	_ =	sdelay $0x1  }
0x1e3: {  	s1 =	sadd.s32 $0x10, s1;
	s30 =	sadd.s32 $0x10, s30;
	[tilespmem:s0+$0x0] =	vst v0;
	s0 =	sadd.s32 $0x10, s0  }
0x1e4: {  	[hbm4b:s19+s3] =	stream.linear.scatter [tilespmem:s25], [sflag:$0x2], $0x7D0, $0x38;
	[tilespmem:$0xC680] =	vst v63  }
0x1e5: {  	_ =	swait.ge [sflag:s26], $0x7D0  }
0x1e6: {  	[sflag:s26] =	ssyncset.done $0x0  }
0x1e7: {  	[sflag:s26] =	ssyncadd.s32 $0xFFFFF830  }
0x1e8: {  	_ =	swait.ge [sflag:s26], $0x7D0  }
0x1e9: {  	[sflag:s26] =	ssyncset.done $0x0  }
0x1ea: {  	[sflag:s26] =	ssyncadd.s32 $0xFFFFF830  }
0x1eb: {  	_ =	swait.ge [sflag:s26], $0x7D0  }
0x1ec: {  	[sflag:s26] =	ssyncset.done $0x0  }
0x1ed: {  	s28 =	sadd.s32 $0x1, s28;
	[sflag:s26] =	ssyncadd.s32 $0xFFFFF830  }
0x1ee: {  	p0 =	sne.s32 s28, s20;
	_ =	swait.ge [sflag:s26], $0x7D0  }
.Ltmp10:
0x1ef: {  	[sflag:s26] =	ssyncset.done $0x0;
	(pc) =	sbr.rel @p0 .LBB2_1-.Ltmp10, $4  }
0x1f0: {  	[sflag:s26] =	ssyncadd.s32 $0xFFFFF830  }
0x1f1: {  	_ =	swait.ge [sflag:s26], $0x7D0  }
0x1f2: {  	[sflag:s26] =	ssyncset.done $0x0  }
0x1f3: {  	[sflag:s26] =	ssyncadd.s32 $0xFFFFF830  }
0x1f4: {  	_ =	sfence.sel $0x180000  }
0x1f5: {  	[bflag:$0x0] =	sbarrier.arrive $0xFFFF  }
0x1f6: {  	_ =	strace $0x90000047  }
0x1f7: {  	s0 =	stileid.u32;
	[bflag:$0x2] =	sbarrier.arrive $0xFFFF  }
0x1f8: {  	p0 =	sne.s32 s0, $0x0;
	s0 =	rddreg [dreg:$0x2]  }
0x1f9: {  	s0 =	sadd.s32 @!p0 $0x100000, s0  }
0x1fa: {  	[sflag:s0] =	ssyncadd.tile.s32 @!p0 $0x1;
	_ =	shalt  }
.Lfunc_end2:
_tile_overlayer_lowered:
.L_overlay_start_2:
0x1fb: {  	(tag) =	ssettag $0x2  }
0x1fc: {  	s0 =	rddreg [dreg:$0x0];
	s2 =	stileid.u32  }
0x1fd: {  	s1 =	rddreg [dreg:$0x1];
	p0 =	sne.s32 s2, $0x0  }
0x1fe: {  	s3 =	rddreg [dreg:$0x2];
	[bflag:$0x3] =	sbarrier.arrive $0xFFFF;
	s2 =	simm.s32 @!p0 $0x1C03  }
0x1ff: {  	[timem:s3], [sflag:s2] =	dma.local @!p0 [hbm:s0], s1  }
0x200: {  	s0 =	simm.s32 @!p0 $0x3  }
0x201: {  	_ =	swait.ge @!p0 [sflag:s0], s1  }
0x202: {  	s1 =	ssub.s32 @!p0 $0x0, s1;
	[sflag:s0] =	ssyncset.done @!p0 $0x0  }
0x203: {  	[sflag:s0] =	ssyncadd.s32 @!p0 s1  }
0x204: {  	[bflag:$0x3] =	sbarrier.arrive $0xFFFF  }
0x205: {  	_ =	shalt  }

</sc_bundles>
